<compile_context>
chip_gen: v7x
topology: tpu7x:2x2x1
jax: 0.10.2.dev20260603
libtpu: 0.0.44.dev20260713+nightly
codegen_flags: <defaults>
</compile_context>

<pallas_src>
import functools

import jax
import jax.numpy as jnp
import numpy as np
from jax import lax
from jax.experimental import pallas as pl
from jax.experimental.pallas import tpu as pltpu
from jax.experimental.pallas import tpu_sc as plsc

_N = 10000
_E = 320000
_D = 128
_H = 4
_DH = _D // _H
_NC = 2
_NS = 16
_NW = _NC * _NS
_C = 64
_NCHUNK = 157
_EPW = _C * _NCHUNK
_EP = _NW * _EPW
_NP = _N + 16
_RPT = 624
_ZR = 8
_BLK = 400


def _tc_prep_body(x_ref, w_ref, a_ref, h_ref, s_ref):
    h = jnp.dot(x_ref[...], w_ref[...], preferred_element_type=jnp.float32)
    h_ref[...] = h
    s_ref[...] = jnp.dot(h, a_ref[...], preferred_element_type=jnp.float32)


def _tc_fin_body(a0_ref, a1_ref, d0_ref, d1_ref, rep_ref, out_ref):
    a = a0_ref[...] + a1_ref[...]
    d = d0_ref[...] + d1_ref[...]
    dx = jnp.dot(d, rep_ref[...], preferred_element_type=jnp.float32)
    out_ref[...] = a / (dx + 1e-16)


def _sc_body(h_hbm, stab_hbm, src_hbm, dst_hbm, acc_out, den_out,
             src_v, dst_v, hrows, wrow, srows, drows, zbuf, zbufd,
             acc_s, den_s, sem_h, sem_s1, sem_s2):
    cid = lax.axis_index("c")
    sid = lax.axis_index("s")
    wid = cid * _NS + sid
    z16 = jnp.zeros((16,), jnp.float32)
    lanes = lax.iota(jnp.int32, 16)

    def _zb(r, c):
        for q in range(_D // 16):
            zbuf[r, pl.ds(q * 16, 16)] = z16
        return c
    lax.fori_loop(0, _ZR, _zb, 0)

    def _zbd(r, c):
        zbufd[r, pl.ds(0, 16)] = z16
        return c
    lax.fori_loop(0, 16, _zbd, 0)

    def _zacc(k, c):
        r0 = 16 + sid * _RPT + k * _ZR
        pltpu.sync_copy(zbuf, acc_s.at[pl.ds(r0, _ZR)])
        return c
    lax.fori_loop(0, _RPT // _ZR, _zacc, 0)

    def _zden(k, c):
        r0 = 16 + sid * _RPT + k * 16
        pltpu.sync_copy(zbufd, den_s.at[pl.ds(r0, 16)])
        return c
    lax.fori_loop(0, _RPT // 16, _zden, 0)

    @pl.when(sid == 0)
    def _zhead():
        pltpu.sync_copy(zbuf, acc_s.at[pl.ds(0, _ZR)])
        pltpu.sync_copy(zbuf, acc_s.at[pl.ds(8, _ZR)])
        pltpu.sync_copy(zbufd, den_s.at[pl.ds(0, 16)])

    @pl.when(sid == 1)
    def _ztail():
        pltpu.sync_copy(zbuf, acc_s.at[pl.ds(_N, _ZR)])
        pltpu.sync_copy(zbuf, acc_s.at[pl.ds(_N + 8, _ZR)])
        pltpu.sync_copy(zbufd, den_s.at[pl.ds(_N, 16)])

    plsc.subcore_barrier()

    def _chunk(k, c):
        base = wid * _EPW + k * _C
        pltpu.sync_copy(src_hbm.at[pl.ds(base, _C)], src_v)
        pltpu.sync_copy(dst_hbm.at[pl.ds(base, _C)], dst_v)
        cp = pltpu.async_copy(h_hbm.at[src_v], hrows, sem_h)
        cps = pltpu.async_copy(stab_hbm.at[src_v], srows, sem_s1)
        cpd = pltpu.async_copy(stab_hbm.at[dst_v], drows, sem_s2)
        cps.wait()
        cpd.wait()

        for g in range(_C // 16):
            rows16 = g * 16 + lanes
            for h in range(_H):
                v1 = plsc.load_gather(
                    srows, [rows16, jnp.full((16,), h, jnp.int32)])
                v2 = plsc.load_gather(
                    drows, [rows16, jnp.full((16,), 4 + h, jnp.int32)])
                e = v1 + v2
                e = jnp.maximum(e, 0.2 * e)
                plsc.store_scatter(
                    wrow,
                    [rows16, jnp.full((16,), h, jnp.int32)],
                    jnp.exp(e))
        cp.wait()

        def _erow(e_i, c2):
            wv = wrow[e_i, pl.ds(0, 16)]
            for h in range(_H):
                sv = jnp.full((16,), wv[h])
                for q in range(_DH // 16):
                    off = h * _DH + q * 16
                    hrows[e_i, pl.ds(off, 16)] = (
                        hrows[e_i, pl.ds(off, 16)] * sv)
            return c2
        lax.fori_loop(0, _C, _erow, 0)

        pltpu.sync_copy(hrows, acc_s.at[dst_v], add=True)
        pltpu.sync_copy(wrow, den_s.at[dst_v], add=True)
        return c
    lax.fori_loop(0, _NCHUNK, _chunk, 0)

    plsc.subcore_barrier()

    r0 = 16 + sid * _RPT
    pltpu.sync_copy(acc_s.at[pl.ds(r0, _RPT)],
                    acc_out.at[cid, pl.ds(r0, _RPT)])
    pltpu.sync_copy(den_s.at[pl.ds(r0, _RPT)],
                    den_out.at[cid, pl.ds(r0, _RPT)])

    @pl.when(sid == 0)
    def _fhead():
        pltpu.sync_copy(acc_s.at[pl.ds(0, 16)],
                        acc_out.at[cid, pl.ds(0, 16)])
        pltpu.sync_copy(den_s.at[pl.ds(0, 16)],
                        den_out.at[cid, pl.ds(0, 16)])


@functools.cache
def _sc_edges_kernel():
    return pl.kernel(
        _sc_body,
        out_type=(jax.ShapeDtypeStruct((_NC, _N, _D), jnp.float32),
                  jax.ShapeDtypeStruct((_NC, _N, 16), jnp.float32)),
        mesh=plsc.VectorSubcoreMesh(core_axis_name="c",
                                    subcore_axis_name="s"),
        compiler_params=pltpu.CompilerParams(needs_layout_passes=False,
                                             use_tc_tiling_on_sc=False),
        scratch_types=[
            pltpu.VMEM((_C,), jnp.int32),
            pltpu.VMEM((_C,), jnp.int32),
            pltpu.VMEM((_C, _D), jnp.float32),
            pltpu.VMEM((_C, 16), jnp.float32),
            pltpu.VMEM((_C, 16), jnp.float32),
            pltpu.VMEM((_C, 16), jnp.float32),
            pltpu.VMEM((_ZR, _D), jnp.float32),
            pltpu.VMEM((16, 16), jnp.float32),
            pltpu.VMEM_SHARED((_NP, _D), jnp.float32),
            pltpu.VMEM_SHARED((_NP, 16), jnp.float32),
            pltpu.SemaphoreType.DMA,
            pltpu.SemaphoreType.DMA,
            pltpu.SemaphoreType.DMA,
        ],
    )


_REP = np.zeros((16, _D), np.float32)
for _h in range(_H):
    _REP[_h, _h * _DH:(_h + 1) * _DH] = 1.0

_HEADMASK = np.zeros((_D, _H), np.float32)
for _h in range(_H):
    _HEADMASK[_h * _DH:(_h + 1) * _DH, _h] = 1.0


def kernel(x, edge_index, W, a_src, a_dst):
    a1 = a_src.reshape(_D)[:, None] * _HEADMASK
    a2 = a_dst.reshape(_D)[:, None] * _HEADMASK
    amat = jnp.concatenate(
        [a1, a2, jnp.zeros((_D, 8), jnp.float32)], axis=1)
    pad = _EP - _E
    src = jnp.concatenate([edge_index[0],
                           jnp.zeros((pad,), jnp.int32)])
    dst = jnp.concatenate([edge_index[1],
                           jnp.full((pad,), _N + 8, jnp.int32)])

    h, stab = pl.pallas_call(
        _tc_prep_body,
        grid=(_N // _BLK,),
        in_specs=[pl.BlockSpec((_BLK, _D), lambda i: (i, 0)),
                  pl.BlockSpec((_D, _D), lambda i: (0, 0)),
                  pl.BlockSpec((_D, 16), lambda i: (0, 0))],
        out_specs=[pl.BlockSpec((_BLK, _D), lambda i: (i, 0)),
                   pl.BlockSpec((_BLK, 16), lambda i: (i, 0))],
        out_shape=[jax.ShapeDtypeStruct((_N, _D), jnp.float32),
                   jax.ShapeDtypeStruct((_N, 16), jnp.float32)],
    )(x, W, amat)

    stab_p = jnp.concatenate(
        [stab, jnp.zeros((_NP - _N, 16), jnp.float32)])

    acc, den = _sc_edges_kernel()(h, stab_p, src, dst)

    out = pl.pallas_call(
        _tc_fin_body,
        grid=(_N // _BLK,),
        in_specs=[pl.BlockSpec((_BLK, _D), lambda i: (i, 0)),
                  pl.BlockSpec((_BLK, _D), lambda i: (i, 0)),
                  pl.BlockSpec((_BLK, 16), lambda i: (i, 0)),
                  pl.BlockSpec((_BLK, 16), lambda i: (i, 0)),
                  pl.BlockSpec((16, _D), lambda i: (0, 0))],
        out_specs=pl.BlockSpec((_BLK, _D), lambda i: (i, 0)),
        out_shape=jax.ShapeDtypeStruct((_N, _D), jnp.float32),
    )(acc[0], acc[1], den[0], den[1], jnp.asarray(_REP))
    return out

# --- scband reference (transcript-rebuilt; emitter-appended) ---
"""Pipeline reference for scband-conv-layer-13357348291074 (READ-ONLY COPY).

The authoritative reference and input builder live on the scoring server;
editing this copy changes nothing except your own understanding.
"""

import jax, jax.numpy as jnp
import numpy as np

N = 10000
E = 320000
D = 128
H = 4
DH = D // H


def setup_inputs(seed: int = 0) -> dict:
    key = jax.random.key(seed)
    k1, k2, k3, k4, k5 = jax.random.split(key, 5)
    x = jax.random.normal(k1, (N, D), dtype=jnp.float32)
    edge_index = jax.random.randint(k2, (2, E), 0, N, dtype=jnp.int32)
    W = jax.random.normal(k3, (D, D), dtype=jnp.float32) * (1.0 / np.sqrt(D))
    a_src = jax.random.normal(k4, (H, DH), dtype=jnp.float32) * (1.0 / np.sqrt(DH))
    a_dst = jax.random.normal(k5, (H, DH), dtype=jnp.float32) * (1.0 / np.sqrt(DH))
    return {"x": x, "edge_index": edge_index, "W": W, "a_src": a_src, "a_dst": a_dst}


def reference(x, edge_index, W, a_src, a_dst):
    # Multi-head attention message-passing conv (GAT-style), d -> d with H heads,
    # heads concatenated back to d. Faithful translation of SKP-style conv layer.
    h = (x @ W).reshape(N, H, DH)                      # [N, H, DH]
    src = edge_index[0]
    dst = edge_index[1]
    h_src = jnp.take(h, src, axis=0)                   # [E, H, DH] gather
    h_dst = jnp.take(h, dst, axis=0)                   # [E, H, DH] gather
    e = jnp.sum(h_src * a_src[None, :, :], axis=-1) + jnp.sum(h_dst * a_dst[None, :, :], axis=-1)  # [E, H]
    e = jax.nn.leaky_relu(e, negative_slope=0.2)
    # numerically-stable segment softmax over incoming edges of each dst node
    m = jax.ops.segment_max(e, dst, num_segments=N)    # [N, H]
    m = jnp.where(jnp.isfinite(m), m, 0.0)
    ex = jnp.exp(e - jnp.take(m, dst, axis=0))         # [E, H]
    denom = jax.ops.segment_sum(ex, dst, num_segments=N)  # [N, H]
    alpha = ex / (jnp.take(denom, dst, axis=0) + 1e-16)   # [E, H]
    msg = alpha[:, :, None] * h_src                    # [E, H, DH]
    out = jax.ops.segment_sum(msg, dst, num_segments=N)   # [N, H, DH] scatter-add
    return out.reshape(N, D)

if __name__ == "__main__":
    import jax
    _d = setup_inputs()
    print(jax.jit(kernel)(*tuple(_d.values())))

</pallas_src>

<mosaic_0001>
#map = affine_map<(d0, d1) -> (0, 0)>
#map1 = affine_map<(d0, d1) -> (0)>
#map2 = affine_map<(d0, d1) -> (0, 0, 0)>
module attributes {stable_mosaic.version = 14 : i64} {
  func.func @_sc_body(%arg0: i32, %arg1: i32, %arg2: memref<10000x128xf32, #tpu.memory_space<hbm>>, %arg3: memref<10016x16xf32, #tpu.memory_space<hbm>>, %arg4: memref<321536xi32, #tpu.memory_space<hbm>>, %arg5: memref<321536xi32, #tpu.memory_space<hbm>>, %arg6: memref<2x10000x128xf32, #tpu.memory_space<hbm>>, %arg7: memref<2x10000x16xf32, #tpu.memory_space<hbm>>, %arg8: memref<64xi32, #tpu.memory_space<vmem>>, %arg9: memref<64xi32, #tpu.memory_space<vmem>>, %arg10: memref<64x128xf32, #tpu.memory_space<vmem>>, %arg11: memref<64x16xf32, #tpu.memory_space<vmem>>, %arg12: memref<64x16xf32, #tpu.memory_space<vmem>>, %arg13: memref<64x16xf32, #tpu.memory_space<vmem>>, %arg14: memref<8x128xf32, #tpu.memory_space<vmem>>, %arg15: memref<16x16xf32, #tpu.memory_space<vmem>>, %arg16: memref<10016x128xf32, #tpu.memory_space<vmem_shared>>, %arg17: memref<10016x16xf32, #tpu.memory_space<vmem_shared>>, %arg18: memref<!tpu.dma_semaphore, #tpu.memory_space<semaphore_mem>>, %arg19: memref<!tpu.dma_semaphore, #tpu.memory_space<semaphore_mem>>, %arg20: memref<!tpu.dma_semaphore, #tpu.memory_space<semaphore_mem>>) attributes {dimension_semantics = [#tpu.dimension_semantics<core_parallel>, #tpu.dimension_semantics<subcore_parallel>], iteration_bounds = array<i64: 2, 16>, scalar_prefetch = 0 : i64, scratch_operands = 13 : i64, tpu.core_type = #tpu.core_type<sc_vector_subcore>, window_params = [{transform_indices = #map}, {transform_indices = #map}, {transform_indices = #map1}, {transform_indices = #map1}, {transform_indices = #map2}, {transform_indices = #map2}]} {
    %mul3A = arith.constant 16 : i32
    %mul3A_0 = arith.muli %arg0, %mul3A : i32
    %add3A = arith.addi %mul3A_0, %arg1 : i32
    %broadcast_in_dim3A = arith.constant 0.000000e+00 : f32
    %broadcast_in_dim3A_1 = vector.broadcast %broadcast_in_dim3A : f32 to vector<16xf32>
    %iota3A = tpu.iota {dimensions = array<i32: 0>} : vector<16xi32>
    %scan3A = arith.constant 0 : i32
    %scan3A_2 = arith.constant 0 : i32
    %scan3A_3 = arith.constant 8 : i32
    %scan3A_4 = arith.addi %scan3A_2, %scan3A_3 : i32
    %scan3A_5 = arith.constant 1 : i32
    scf.for %scan3A_48 = %scan3A_2 to %scan3A_4 step %scan3A_5  : i32 {
      %swap3A = arith.index_cast %scan3A_48 : i32 to index
      %swap3A_49 = arith.constant 0 : index
      %swap3A_50 = tpu.vector_load %arg14[%swap3A, %swap3A_49] {strides = array<i32>} : memref<8x128xf32, #tpu.memory_space<vmem>>, vector<16xf32>,
      tpu.vector_store %arg14[%swap3A, %swap3A_49], %broadcast_in_dim3A_1 {strides = array<i32>} : memref<8x128xf32, #tpu.memory_space<vmem>>, vector<16xf32>,
      %swap3A_51 = arith.index_cast %scan3A_48 : i32 to index
      %swap3A_52 = arith.constant 16 : index
      %swap3A_53 = tpu.vector_load %arg14[%swap3A_51, %swap3A_52] {strides = array<i32>} : memref<8x128xf32, #tpu.memory_space<vmem>>, vector<16xf32>,
      tpu.vector_store %arg14[%swap3A_51, %swap3A_52], %broadcast_in_dim3A_1 {strides = array<i32>} : memref<8x128xf32, #tpu.memory_space<vmem>>, vector<16xf32>,
      %swap3A_54 = arith.index_cast %scan3A_48 : i32 to index
      %swap3A_55 = arith.constant 32 : index
      %swap3A_56 = tpu.vector_load %arg14[%swap3A_54, %swap3A_55] {strides = array<i32>} : memref<8x128xf32, #tpu.memory_space<vmem>>, vector<16xf32>,
      tpu.vector_store %arg14[%swap3A_54, %swap3A_55], %broadcast_in_dim3A_1 {strides = array<i32>} : memref<8x128xf32, #tpu.memory_space<vmem>>, vector<16xf32>,
      %swap3A_57 = arith.index_cast %scan3A_48 : i32 to index
      %swap3A_58 = arith.constant 48 : index
      %swap3A_59 = tpu.vector_load %arg14[%swap3A_57, %swap3A_58] {strides = array<i32>} : memref<8x128xf32, #tpu.memory_space<vmem>>, vector<16xf32>,
      tpu.vector_store %arg14[%swap3A_57, %swap3A_58], %broadcast_in_dim3A_1 {strides = array<i32>} : memref<8x128xf32, #tpu.memory_space<vmem>>, vector<16xf32>,
      %swap3A_60 = arith.index_cast %scan3A_48 : i32 to index
      %swap3A_61 = arith.constant 64 : index
      %swap3A_62 = tpu.vector_load %arg14[%swap3A_60, %swap3A_61] {strides = array<i32>} : memref<8x128xf32, #tpu.memory_space<vmem>>, vector<16xf32>,
      tpu.vector_store %arg14[%swap3A_60, %swap3A_61], %broadcast_in_dim3A_1 {strides = array<i32>} : memref<8x128xf32, #tpu.memory_space<vmem>>, vector<16xf32>,
      %swap3A_63 = arith.index_cast %scan3A_48 : i32 to index
      %swap3A_64 = arith.constant 80 : index
      %swap3A_65 = tpu.vector_load %arg14[%swap3A_63, %swap3A_64] {strides = array<i32>} : memref<8x128xf32, #tpu.memory_space<vmem>>, vector<16xf32>,
      tpu.vector_store %arg14[%swap3A_63, %swap3A_64], %broadcast_in_dim3A_1 {strides = array<i32>} : memref<8x128xf32, #tpu.memory_space<vmem>>, vector<16xf32>,
      %swap3A_66 = arith.index_cast %scan3A_48 : i32 to index
      %swap3A_67 = arith.constant 96 : index
      %swap3A_68 = tpu.vector_load %arg14[%swap3A_66, %swap3A_67] {strides = array<i32>} : memref<8x128xf32, #tpu.memory_space<vmem>>, vector<16xf32>,
      tpu.vector_store %arg14[%swap3A_66, %swap3A_67], %broadcast_in_dim3A_1 {strides = array<i32>} : memref<8x128xf32, #tpu.memory_space<vmem>>, vector<16xf32>,
      %swap3A_69 = arith.index_cast %scan3A_48 : i32 to index
      %swap3A_70 = arith.constant 112 : index
      %swap3A_71 = tpu.vector_load %arg14[%swap3A_69, %swap3A_70] {strides = array<i32>} : memref<8x128xf32, #tpu.memory_space<vmem>>, vector<16xf32>,
      tpu.vector_store %arg14[%swap3A_69, %swap3A_70], %broadcast_in_dim3A_1 {strides = array<i32>} : memref<8x128xf32, #tpu.memory_space<vmem>>, vector<16xf32>,
    }
    %scan3A_6 = arith.constant 8 : i32
    %scan3A_7 = arith.constant 0 : i32
    %scan3A_8 = arith.constant 0 : i32
    %scan3A_9 = arith.constant 16 : i32
    %scan3A_10 = arith.addi %scan3A_8, %scan3A_9 : i32
    %scan3A_11 = arith.constant 1 : i32
    scf.for %scan3A_48 = %scan3A_8 to %scan3A_10 step %scan3A_11  : i32 {
      %swap3A = arith.index_cast %scan3A_48 : i32 to index
      %swap3A_49 = arith.constant 0 : index
      %swap3A_50 = tpu.vector_load %arg15[%swap3A, %swap3A_49] {strides = array<i32>} : memref<16x16xf32, #tpu.memory_space<vmem>>, vector<16xf32>,
      tpu.vector_store %arg15[%swap3A, %swap3A_49], %broadcast_in_dim3A_1 {strides = array<i32>} : memref<16x16xf32, #tpu.memory_space<vmem>>, vector<16xf32>,
    }
    %scan3A_12 = arith.constant 16 : i32
    %scan3A_13 = arith.constant 0 : i32
    %scan3A_14 = arith.constant 0 : i32
    %scan3A_15 = arith.constant 78 : i32
    %scan3A_16 = arith.addi %scan3A_14, %scan3A_15 : i32
    %scan3A_17 = arith.constant 1 : i32
    scf.for %scan3A_48 = %scan3A_14 to %scan3A_16 step %scan3A_17  : i32 {
      %mul3A_49 = arith.constant 624 : i32
      %mul3A_50 = arith.muli %arg1, %mul3A_49 : i32
      %add3A_51 = arith.constant 16 : i32
      %add3A_52 = arith.addi %add3A_51, %mul3A_50 : i32
      %mul3A_53 = arith.constant 8 : i32
      %mul3A_54 = arith.muli %scan3A_48, %mul3A_53 : i32
      %add3A_55 = arith.addi %add3A_52, %mul3A_54 : i32
      "tpu.region"() ({
        %run_scoped3A = tpu.sem_alloc : memref<!tpu.dma_semaphore, #tpu.memory_space<semaphore_mem>>
        %dma_start3A = arith.constant 0 : i32
        %dma_start3A_56 = tpu.memref_slice %arg16[%add3A_55, %dma_start3A] : memref<10016x128xf32, #tpu.memory_space<vmem_shared>> -> memref<8x128xf32, #tpu.memory_space<vmem_shared>>
        %dma_start3A_57 = arith.constant 0 : i32
        %dma_start3A_58 = tpu.memref_slice %arg16[%add3A_55, %dma_start3A_57] : memref<10016x128xf32, #tpu.memory_space<vmem_shared>> -> memref<8x128xf32, #tpu.memory_space<vmem_shared>>
        tpu.enqueue_dma source(%arg14 : memref<8x128xf32, #tpu.memory_space<vmem>>) target(%dma_start3A_58 : memref<8x128xf32, #tpu.memory_space<vmem_shared>>) target_semaphore(%run_scoped3A : memref<!tpu.dma_semaphore, #tpu.memory_space<semaphore_mem>>)
        %dma_wait3A = arith.constant 0 : i32
        %dma_wait3A_59 = tpu.memref_slice %arg16[%add3A_55, %dma_wait3A] : memref<10016x128xf32, #tpu.memory_space<vmem_shared>> -> memref<8x128xf32, #tpu.memory_space<vmem_shared>>
        %dma_wait3A_60 = arith.constant 0 : i32
        %dma_wait3A_61 = tpu.memref_slice %arg16[%add3A_55, %dma_wait3A_60] : memref<10016x128xf32, #tpu.memory_space<vmem_shared>> -> memref<8x128xf32, #tpu.memory_space<vmem_shared>>
        tpu.wait_dma2 semaphore(%run_scoped3A : memref<!tpu.dma_semaphore, #tpu.memory_space<semaphore_mem>>) src(%arg14 : memref<8x128xf32, #tpu.memory_space<vmem>>) dst(%dma_wait3A_61 : memref<8x128xf32, #tpu.memory_space<vmem_shared>>)
        tpu.yield
      }) : () -> ()
    }
    %scan3A_18 = arith.constant 78 : i32
    %scan3A_19 = arith.constant 0 : i32
    %scan3A_20 = arith.constant 0 : i32
    %scan3A_21 = arith.constant 39 : i32
    %scan3A_22 = arith.addi %scan3A_20, %scan3A_21 : i32
    %scan3A_23 = arith.constant 1 : i32
    scf.for %scan3A_48 = %scan3A_20 to %scan3A_22 step %scan3A_23  : i32 {
      %mul3A_49 = arith.constant 624 : i32
      %mul3A_50 = arith.muli %arg1, %mul3A_49 : i32
      %add3A_51 = arith.constant 16 : i32
      %add3A_52 = arith.addi %add3A_51, %mul3A_50 : i32
      %mul3A_53 = arith.constant 16 : i32
      %mul3A_54 = arith.muli %scan3A_48, %mul3A_53 : i32
      %add3A_55 = arith.addi %add3A_52, %mul3A_54 : i32
      "tpu.region"() ({
        %run_scoped3A = tpu.sem_alloc : memref<!tpu.dma_semaphore, #tpu.memory_space<semaphore_mem>>
        %dma_start3A = arith.constant 0 : i32
        %dma_start3A_56 = tpu.memref_slice %arg17[%add3A_55, %dma_start3A] : memref<10016x16xf32, #tpu.memory_space<vmem_shared>> -> memref<16x16xf32, #tpu.memory_space<vmem_shared>>
        %dma_start3A_57 = arith.constant 0 : i32
        %dma_start3A_58 = tpu.memref_slice %arg17[%add3A_55, %dma_start3A_57] : memref<10016x16xf32, #tpu.memory_space<vmem_shared>> -> memref<16x16xf32, #tpu.memory_space<vmem_shared>>
        tpu.enqueue_dma source(%arg15 : memref<16x16xf32, #tpu.memory_space<vmem>>) target(%dma_start3A_58 : memref<16x16xf32, #tpu.memory_space<vmem_shared>>) target_semaphore(%run_scoped3A : memref<!tpu.dma_semaphore, #tpu.memory_space<semaphore_mem>>)
        %dma_wait3A = arith.constant 0 : i32
        %dma_wait3A_59 = tpu.memref_slice %arg17[%add3A_55, %dma_wait3A] : memref<10016x16xf32, #tpu.memory_space<vmem_shared>> -> memref<16x16xf32, #tpu.memory_space<vmem_shared>>
        %dma_wait3A_60 = arith.constant 0 : i32
        %dma_wait3A_61 = tpu.memref_slice %arg17[%add3A_55, %dma_wait3A_60] : memref<10016x16xf32, #tpu.memory_space<vmem_shared>> -> memref<16x16xf32, #tpu.memory_space<vmem_shared>>
        tpu.wait_dma2 semaphore(%run_scoped3A : memref<!tpu.dma_semaphore, #tpu.memory_space<semaphore_mem>>) src(%arg15 : memref<16x16xf32, #tpu.memory_space<vmem>>) dst(%dma_wait3A_61 : memref<16x16xf32, #tpu.memory_space<vmem_shared>>)
        tpu.yield
      }) : () -> ()
    }
    %scan3A_24 = arith.constant 39 : i32
    %eq3A = arith.constant 0 : i32
    %eq3A_25 = arith.cmpi eq, %arg1, %eq3A : i32
    %convert_element_type3A = arith.extui %eq3A_25 : i1 to i32
    %cond3A = arith.constant 0 : i32
    %cond3A_26 = arith.cmpi ne, %convert_element_type3A, %cond3A : i32
    scf.if %cond3A_26 {
      "tpu.region"() ({
        %run_scoped3A = tpu.sem_alloc : memref<!tpu.dma_semaphore, #tpu.memory_space<semaphore_mem>>
        %dma_start3A = arith.constant 0 : i32
        %dma_start3A_48 = arith.constant 0 : i32
        %dma_start3A_49 = tpu.memref_slice %arg16[%dma_start3A, %dma_start3A_48] : memref<10016x128xf32, #tpu.memory_space<vmem_shared>> -> memref<8x128xf32, #tpu.memory_space<vmem_shared>>
        %dma_start3A_50 = arith.constant 0 : i32
        %dma_start3A_51 = arith.constant 0 : i32
        %dma_start3A_52 = tpu.memref_slice %arg16[%dma_start3A_50, %dma_start3A_51] : memref<10016x128xf32, #tpu.memory_space<vmem_shared>> -> memref<8x128xf32, #tpu.memory_space<vmem_shared>>
        tpu.enqueue_dma source(%arg14 : memref<8x128xf32, #tpu.memory_space<vmem>>) target(%dma_start3A_52 : memref<8x128xf32, #tpu.memory_space<vmem_shared>>) target_semaphore(%run_scoped3A : memref<!tpu.dma_semaphore, #tpu.memory_space<semaphore_mem>>)
        %dma_wait3A = arith.constant 0 : i32
        %dma_wait3A_53 = arith.constant 0 : i32
        %dma_wait3A_54 = tpu.memref_slice %arg16[%dma_wait3A, %dma_wait3A_53] : memref<10016x128xf32, #tpu.memory_space<vmem_shared>> -> memref<8x128xf32, #tpu.memory_space<vmem_shared>>
        %dma_wait3A_55 = arith.constant 0 : i32
        %dma_wait3A_56 = arith.constant 0 : i32
        %dma_wait3A_57 = tpu.memref_slice %arg16[%dma_wait3A_55, %dma_wait3A_56] : memref<10016x128xf32, #tpu.memory_space<vmem_shared>> -> memref<8x128xf32, #tpu.memory_space<vmem_shared>>
        tpu.wait_dma2 semaphore(%run_scoped3A : memref<!tpu.dma_semaphore, #tpu.memory_space<semaphore_mem>>) src(%arg14 : memref<8x128xf32, #tpu.memory_space<vmem>>) dst(%dma_wait3A_57 : memref<8x128xf32, #tpu.memory_space<vmem_shared>>)
        tpu.yield
      }) : () -> ()
      "tpu.region"() ({
        %run_scoped3A = tpu.sem_alloc : memref<!tpu.dma_semaphore, #tpu.memory_space<semaphore_mem>>
        %dma_start3A = arith.constant 8 : i32
        %dma_start3A_48 = arith.constant 0 : i32
        %dma_start3A_49 = tpu.memref_slice %arg16[%dma_start3A, %dma_start3A_48] : memref<10016x128xf32, #tpu.memory_space<vmem_shared>> -> memref<8x128xf32, #tpu.memory_space<vmem_shared>>
        %dma_start3A_50 = arith.constant 8 : i32
        %dma_start3A_51 = arith.constant 0 : i32
        %dma_start3A_52 = tpu.memref_slice %arg16[%dma_start3A_50, %dma_start3A_51] : memref<10016x128xf32, #tpu.memory_space<vmem_shared>> -> memref<8x128xf32, #tpu.memory_space<vmem_shared>>
        tpu.enqueue_dma source(%arg14 : memref<8x128xf32, #tpu.memory_space<vmem>>) target(%dma_start3A_52 : memref<8x128xf32, #tpu.memory_space<vmem_shared>>) target_semaphore(%run_scoped3A : memref<!tpu.dma_semaphore, #tpu.memory_space<semaphore_mem>>)
        %dma_wait3A = arith.constant 8 : i32
        %dma_wait3A_53 = arith.constant 0 : i32
        %dma_wait3A_54 = tpu.memref_slice %arg16[%dma_wait3A, %dma_wait3A_53] : memref<10016x128xf32, #tpu.memory_space<vmem_shared>> -> memref<8x128xf32, #tpu.memory_space<vmem_shared>>
        %dma_wait3A_55 = arith.constant 8 : i32
        %dma_wait3A_56 = arith.constant 0 : i32
        %dma_wait3A_57 = tpu.memref_slice %arg16[%dma_wait3A_55, %dma_wait3A_56] : memref<10016x128xf32, #tpu.memory_space<vmem_shared>> -> memref<8x128xf32, #tpu.memory_space<vmem_shared>>
        tpu.wait_dma2 semaphore(%run_scoped3A : memref<!tpu.dma_semaphore, #tpu.memory_space<semaphore_mem>>) src(%arg14 : memref<8x128xf32, #tpu.memory_space<vmem>>) dst(%dma_wait3A_57 : memref<8x128xf32, #tpu.memory_space<vmem_shared>>)
        tpu.yield
      }) : () -> ()
      "tpu.region"() ({
        %run_scoped3A = tpu.sem_alloc : memref<!tpu.dma_semaphore, #tpu.memory_space<semaphore_mem>>
        %dma_start3A = arith.constant 0 : i32
        %dma_start3A_48 = arith.constant 0 : i32
        %dma_start3A_49 = tpu.memref_slice %arg17[%dma_start3A, %dma_start3A_48] : memref<10016x16xf32, #tpu.memory_space<vmem_shared>> -> memref<16x16xf32, #tpu.memory_space<vmem_shared>>
        %dma_start3A_50 = arith.constant 0 : i32
        %dma_start3A_51 = arith.constant 0 : i32
        %dma_start3A_52 = tpu.memref_slice %arg17[%dma_start3A_50, %dma_start3A_51] : memref<10016x16xf32, #tpu.memory_space<vmem_shared>> -> memref<16x16xf32, #tpu.memory_space<vmem_shared>>
        tpu.enqueue_dma source(%arg15 : memref<16x16xf32, #tpu.memory_space<vmem>>) target(%dma_start3A_52 : memref<16x16xf32, #tpu.memory_space<vmem_shared>>) target_semaphore(%run_scoped3A : memref<!tpu.dma_semaphore, #tpu.memory_space<semaphore_mem>>)
        %dma_wait3A = arith.constant 0 : i32
        %dma_wait3A_53 = arith.constant 0 : i32
        %dma_wait3A_54 = tpu.memref_slice %arg17[%dma_wait3A, %dma_wait3A_53] : memref<10016x16xf32, #tpu.memory_space<vmem_shared>> -> memref<16x16xf32, #tpu.memory_space<vmem_shared>>
        %dma_wait3A_55 = arith.constant 0 : i32
        %dma_wait3A_56 = arith.constant 0 : i32
        %dma_wait3A_57 = tpu.memref_slice %arg17[%dma_wait3A_55, %dma_wait3A_56] : memref<10016x16xf32, #tpu.memory_space<vmem_shared>> -> memref<16x16xf32, #tpu.memory_space<vmem_shared>>
        tpu.wait_dma2 semaphore(%run_scoped3A : memref<!tpu.dma_semaphore, #tpu.memory_space<semaphore_mem>>) src(%arg15 : memref<16x16xf32, #tpu.memory_space<vmem>>) dst(%dma_wait3A_57 : memref<16x16xf32, #tpu.memory_space<vmem_shared>>)
        tpu.yield
      }) : () -> ()
    } else {
    }
    %eq3A_27 = arith.constant 1 : i32
    %eq3A_28 = arith.cmpi eq, %arg1, %eq3A_27 : i32
    %convert_element_type3A_29 = arith.extui %eq3A_28 : i1 to i32
    %cond3A_30 = arith.constant 0 : i32
    %cond3A_31 = arith.cmpi ne, %convert_element_type3A_29, %cond3A_30 : i32
    scf.if %cond3A_31 {
      "tpu.region"() ({
        %run_scoped3A = tpu.sem_alloc : memref<!tpu.dma_semaphore, #tpu.memory_space<semaphore_mem>>
        %dma_start3A = arith.constant 10000 : i32
        %dma_start3A_48 = arith.constant 0 : i32
        %dma_start3A_49 = tpu.memref_slice %arg16[%dma_start3A, %dma_start3A_48] : memref<10016x128xf32, #tpu.memory_space<vmem_shared>> -> memref<8x128xf32, #tpu.memory_space<vmem_shared>>
        %dma_start3A_50 = arith.constant 10000 : i32
        %dma_start3A_51 = arith.constant 0 : i32
        %dma_start3A_52 = tpu.memref_slice %arg16[%dma_start3A_50, %dma_start3A_51] : memref<10016x128xf32, #tpu.memory_space<vmem_shared>> -> memref<8x128xf32, #tpu.memory_space<vmem_shared>>
        tpu.enqueue_dma source(%arg14 : memref<8x128xf32, #tpu.memory_space<vmem>>) target(%dma_start3A_52 : memref<8x128xf32, #tpu.memory_space<vmem_shared>>) target_semaphore(%run_scoped3A : memref<!tpu.dma_semaphore, #tpu.memory_space<semaphore_mem>>)
        %dma_wait3A = arith.constant 10000 : i32
        %dma_wait3A_53 = arith.constant 0 : i32
        %dma_wait3A_54 = tpu.memref_slice %arg16[%dma_wait3A, %dma_wait3A_53] : memref<10016x128xf32, #tpu.memory_space<vmem_shared>> -> memref<8x128xf32, #tpu.memory_space<vmem_shared>>
        %dma_wait3A_55 = arith.constant 10000 : i32
        %dma_wait3A_56 = arith.constant 0 : i32
        %dma_wait3A_57 = tpu.memref_slice %arg16[%dma_wait3A_55, %dma_wait3A_56] : memref<10016x128xf32, #tpu.memory_space<vmem_shared>> -> memref<8x128xf32, #tpu.memory_space<vmem_shared>>
        tpu.wait_dma2 semaphore(%run_scoped3A : memref<!tpu.dma_semaphore, #tpu.memory_space<semaphore_mem>>) src(%arg14 : memref<8x128xf32, #tpu.memory_space<vmem>>) dst(%dma_wait3A_57 : memref<8x128xf32, #tpu.memory_space<vmem_shared>>)
        tpu.yield
      }) : () -> ()
      "tpu.region"() ({
        %run_scoped3A = tpu.sem_alloc : memref<!tpu.dma_semaphore, #tpu.memory_space<semaphore_mem>>
        %dma_start3A = arith.constant 10008 : i32
        %dma_start3A_48 = arith.constant 0 : i32
        %dma_start3A_49 = tpu.memref_slice %arg16[%dma_start3A, %dma_start3A_48] : memref<10016x128xf32, #tpu.memory_space<vmem_shared>> -> memref<8x128xf32, #tpu.memory_space<vmem_shared>>
        %dma_start3A_50 = arith.constant 10008 : i32
        %dma_start3A_51 = arith.constant 0 : i32
        %dma_start3A_52 = tpu.memref_slice %arg16[%dma_start3A_50, %dma_start3A_51] : memref<10016x128xf32, #tpu.memory_space<vmem_shared>> -> memref<8x128xf32, #tpu.memory_space<vmem_shared>>
        tpu.enqueue_dma source(%arg14 : memref<8x128xf32, #tpu.memory_space<vmem>>) target(%dma_start3A_52 : memref<8x128xf32, #tpu.memory_space<vmem_shared>>) target_semaphore(%run_scoped3A : memref<!tpu.dma_semaphore, #tpu.memory_space<semaphore_mem>>)
        %dma_wait3A = arith.constant 10008 : i32
        %dma_wait3A_53 = arith.constant 0 : i32
        %dma_wait3A_54 = tpu.memref_slice %arg16[%dma_wait3A, %dma_wait3A_53] : memref<10016x128xf32, #tpu.memory_space<vmem_shared>> -> memref<8x128xf32, #tpu.memory_space<vmem_shared>>
        %dma_wait3A_55 = arith.constant 10008 : i32
        %dma_wait3A_56 = arith.constant 0 : i32
        %dma_wait3A_57 = tpu.memref_slice %arg16[%dma_wait3A_55, %dma_wait3A_56] : memref<10016x128xf32, #tpu.memory_space<vmem_shared>> -> memref<8x128xf32, #tpu.memory_space<vmem_shared>>
        tpu.wait_dma2 semaphore(%run_scoped3A : memref<!tpu.dma_semaphore, #tpu.memory_space<semaphore_mem>>) src(%arg14 : memref<8x128xf32, #tpu.memory_space<vmem>>) dst(%dma_wait3A_57 : memref<8x128xf32, #tpu.memory_space<vmem_shared>>)
        tpu.yield
      }) : () -> ()
      "tpu.region"() ({
        %run_scoped3A = tpu.sem_alloc : memref<!tpu.dma_semaphore, #tpu.memory_space<semaphore_mem>>
        %dma_start3A = arith.constant 10000 : i32
        %dma_start3A_48 = arith.constant 0 : i32
        %dma_start3A_49 = tpu.memref_slice %arg17[%dma_start3A, %dma_start3A_48] : memref<10016x16xf32, #tpu.memory_space<vmem_shared>> -> memref<16x16xf32, #tpu.memory_space<vmem_shared>>
        %dma_start3A_50 = arith.constant 10000 : i32
        %dma_start3A_51 = arith.constant 0 : i32
        %dma_start3A_52 = tpu.memref_slice %arg17[%dma_start3A_50, %dma_start3A_51] : memref<10016x16xf32, #tpu.memory_space<vmem_shared>> -> memref<16x16xf32, #tpu.memory_space<vmem_shared>>
        tpu.enqueue_dma source(%arg15 : memref<16x16xf32, #tpu.memory_space<vmem>>) target(%dma_start3A_52 : memref<16x16xf32, #tpu.memory_space<vmem_shared>>) target_semaphore(%run_scoped3A : memref<!tpu.dma_semaphore, #tpu.memory_space<semaphore_mem>>)
        %dma_wait3A = arith.constant 10000 : i32
        %dma_wait3A_53 = arith.constant 0 : i32
        %dma_wait3A_54 = tpu.memref_slice %arg17[%dma_wait3A, %dma_wait3A_53] : memref<10016x16xf32, #tpu.memory_space<vmem_shared>> -> memref<16x16xf32, #tpu.memory_space<vmem_shared>>
        %dma_wait3A_55 = arith.constant 10000 : i32
        %dma_wait3A_56 = arith.constant 0 : i32
        %dma_wait3A_57 = tpu.memref_slice %arg17[%dma_wait3A_55, %dma_wait3A_56] : memref<10016x16xf32, #tpu.memory_space<vmem_shared>> -> memref<16x16xf32, #tpu.memory_space<vmem_shared>>
        tpu.wait_dma2 semaphore(%run_scoped3A : memref<!tpu.dma_semaphore, #tpu.memory_space<semaphore_mem>>) src(%arg15 : memref<16x16xf32, #tpu.memory_space<vmem>>) dst(%dma_wait3A_57 : memref<16x16xf32, #tpu.memory_space<vmem_shared>>)
        tpu.yield
      }) : () -> ()
    } else {
    }
    %barrier3A = arith.constant 0 : index
    tpu.barrier barrier_id(%barrier3A)
    %scan3A_32 = arith.constant 0 : i32
    %scan3A_33 = arith.constant 0 : i32
    %scan3A_34 = arith.constant 157 : i32
    %scan3A_35 = arith.addi %scan3A_33, %scan3A_34 : i32
    %scan3A_36 = arith.constant 1 : i32
    scf.for %scan3A_48 = %scan3A_33 to %scan3A_35 step %scan3A_36  : i32 {
      %mul3A_49 = arith.constant 10048 : i32
      %mul3A_50 = arith.muli %add3A, %mul3A_49 : i32
      %mul3A_51 = arith.constant 64 : i32
      %mul3A_52 = arith.muli %scan3A_48, %mul3A_51 : i32
      %add3A_53 = arith.addi %mul3A_50, %mul3A_52 : i32
      "tpu.region"() ({
        %run_scoped3A = tpu.sem_alloc : memref<!tpu.dma_semaphore, #tpu.memory_space<semaphore_mem>>
        %dma_start3A_309 = tpu.memref_slice %arg4[%add3A_53] : memref<321536xi32, #tpu.memory_space<hbm>> -> memref<64xi32, #tpu.memory_space<hbm>>
        %dma_start3A_310 = tpu.memref_slice %arg4[%add3A_53] : memref<321536xi32, #tpu.memory_space<hbm>> -> memref<64xi32, #tpu.memory_space<hbm>>
        tpu.enqueue_dma source(%dma_start3A_310 : memref<64xi32, #tpu.memory_space<hbm>>) target(%arg8 : memref<64xi32, #tpu.memory_space<vmem>>) target_semaphore(%run_scoped3A : memref<!tpu.dma_semaphore, #tpu.memory_space<semaphore_mem>>)
        %dma_wait3A_311 = tpu.memref_slice %arg4[%add3A_53] : memref<321536xi32, #tpu.memory_space<hbm>> -> memref<64xi32, #tpu.memory_space<hbm>>
        %dma_wait3A_312 = tpu.memref_slice %arg4[%add3A_53] : memref<321536xi32, #tpu.memory_space<hbm>> -> memref<64xi32, #tpu.memory_space<hbm>>
        tpu.wait_dma2 semaphore(%run_scoped3A : memref<!tpu.dma_semaphore, #tpu.memory_space<semaphore_mem>>) src(%dma_wait3A_312 : memref<64xi32, #tpu.memory_space<hbm>>) dst(%arg8 : memref<64xi32, #tpu.memory_space<vmem>>)
        tpu.yield
      }) : () -> ()
      "tpu.region"() ({
        %run_scoped3A = tpu.sem_alloc : memref<!tpu.dma_semaphore, #tpu.memory_space<semaphore_mem>>
        %dma_start3A_309 = tpu.memref_slice %arg5[%add3A_53] : memref<321536xi32, #tpu.memory_space<hbm>> -> memref<64xi32, #tpu.memory_space<hbm>>
        %dma_start3A_310 = tpu.memref_slice %arg5[%add3A_53] : memref<321536xi32, #tpu.memory_space<hbm>> -> memref<64xi32, #tpu.memory_space<hbm>>
        tpu.enqueue_dma source(%dma_start3A_310 : memref<64xi32, #tpu.memory_space<hbm>>) target(%arg9 : memref<64xi32, #tpu.memory_space<vmem>>) target_semaphore(%run_scoped3A : memref<!tpu.dma_semaphore, #tpu.memory_space<semaphore_mem>>)
        %dma_wait3A_311 = tpu.memref_slice %arg5[%add3A_53] : memref<321536xi32, #tpu.memory_space<hbm>> -> memref<64xi32, #tpu.memory_space<hbm>>
        %dma_wait3A_312 = tpu.memref_slice %arg5[%add3A_53] : memref<321536xi32, #tpu.memory_space<hbm>> -> memref<64xi32, #tpu.memory_space<hbm>>
        tpu.wait_dma2 semaphore(%run_scoped3A : memref<!tpu.dma_semaphore, #tpu.memory_space<semaphore_mem>>) src(%dma_wait3A_312 : memref<64xi32, #tpu.memory_space<hbm>>) dst(%arg9 : memref<64xi32, #tpu.memory_space<vmem>>)
        tpu.yield
      }) : () -> ()
      %dma_start3A = arith.constant 0 : i32
      %dma_start3A_54 = arith.constant 0 : i32
      %dma_start3A_55 = tpu.memref_slice %arg2[%dma_start3A, %dma_start3A_54] : memref<10000x128xf32, #tpu.memory_space<hbm>> -> memref<10000x128xf32, #tpu.memory_space<hbm>>
      tpu.enqueue_indirect_dma source(%dma_start3A_55 : memref<10000x128xf32, #tpu.memory_space<hbm>>) target(%arg10 : memref<64x128xf32, #tpu.memory_space<vmem>>) offsets(%arg8 : memref<64xi32, #tpu.memory_space<vmem>>) semaphore(%arg18 : memref<!tpu.dma_semaphore, #tpu.memory_space<semaphore_mem>>)
      %dma_start3A_56 = arith.constant 0 : i32
      %dma_start3A_57 = arith.constant 0 : i32
      %dma_start3A_58 = tpu.memref_slice %arg3[%dma_start3A_56, %dma_start3A_57] : memref<10016x16xf32, #tpu.memory_space<hbm>> -> memref<10016x16xf32, #tpu.memory_space<hbm>>
      tpu.enqueue_indirect_dma source(%dma_start3A_58 : memref<10016x16xf32, #tpu.memory_space<hbm>>) target(%arg12 : memref<64x16xf32, #tpu.memory_space<vmem>>) offsets(%arg8 : memref<64xi32, #tpu.memory_space<vmem>>) semaphore(%arg19 : memref<!tpu.dma_semaphore, #tpu.memory_space<semaphore_mem>>)
      %dma_start3A_59 = arith.constant 0 : i32
      %dma_start3A_60 = arith.constant 0 : i32
      %dma_start3A_61 = tpu.memref_slice %arg3[%dma_start3A_59, %dma_start3A_60] : memref<10016x16xf32, #tpu.memory_space<hbm>> -> memref<10016x16xf32, #tpu.memory_space<hbm>>
      tpu.enqueue_indirect_dma source(%dma_start3A_61 : memref<10016x16xf32, #tpu.memory_space<hbm>>) target(%arg13 : memref<64x16xf32, #tpu.memory_space<vmem>>) offsets(%arg9 : memref<64xi32, #tpu.memory_space<vmem>>) semaphore(%arg20 : memref<!tpu.dma_semaphore, #tpu.memory_space<semaphore_mem>>)
      %dma_wait3A = arith.constant 0 : i32
      %dma_wait3A_62 = arith.constant 0 : i32
      %dma_wait3A_63 = tpu.memref_slice %arg3[%dma_wait3A, %dma_wait3A_62] : memref<10016x16xf32, #tpu.memory_space<hbm>> -> memref<10016x16xf32, #tpu.memory_space<hbm>>
      tpu.wait_indirect_dma semaphore(%arg19 : memref<!tpu.dma_semaphore, #tpu.memory_space<semaphore_mem>>) src(%dma_wait3A_63 : memref<10016x16xf32, #tpu.memory_space<hbm>>) dst(%arg12 : memref<64x16xf32, #tpu.memory_space<vmem>>)
      %dma_wait3A_64 = arith.constant 0 : i32
      %dma_wait3A_65 = arith.constant 0 : i32
      %dma_wait3A_66 = tpu.memref_slice %arg3[%dma_wait3A_64, %dma_wait3A_65] : memref<10016x16xf32, #tpu.memory_space<hbm>> -> memref<10016x16xf32, #tpu.memory_space<hbm>>
      tpu.wait_indirect_dma semaphore(%arg20 : memref<!tpu.dma_semaphore, #tpu.memory_space<semaphore_mem>>) src(%dma_wait3A_66 : memref<10016x16xf32, #tpu.memory_space<hbm>>) dst(%arg13 : memref<64x16xf32, #tpu.memory_space<vmem>>)
      %add3A_67 = arith.constant 0 : i32
      %add3A_68 = vector.broadcast %add3A_67 : i32 to vector<16xi32>
      %add3A_69 = arith.addi %add3A_68, %iota3A : vector<16xi32>
      %broadcast_in_dim3A_70 = arith.constant 0 : i32
      %broadcast_in_dim3A_71 = vector.broadcast %broadcast_in_dim3A_70 : i32 to vector<16xi32>
      %gather3A = tpu.vector_load_idx %arg12[%add3A_69, %broadcast_in_dim3A_71] : memref<64x16xf32, #tpu.memory_space<vmem>>[vector<16xi32>, vector<16xi32>], vector<16xf32>,
      %broadcast_in_dim3A_72 = arith.constant 4 : i32
      %broadcast_in_dim3A_73 = vector.broadcast %broadcast_in_dim3A_72 : i32 to vector<16xi32>
      %gather3A_74 = tpu.vector_load_idx %arg13[%add3A_69, %broadcast_in_dim3A_73] : memref<64x16xf32, #tpu.memory_space<vmem>>[vector<16xi32>, vector<16xi32>], vector<16xf32>,
      %add3A_75 = arith.addf %gather3A, %gather3A_74 : vector<16xf32>
      %mul3A_76 = arith.constant 2.000000e-01 : f32
      %mul3A_77 = vector.broadcast %mul3A_76 : f32 to vector<16xf32>
      %mul3A_78 = arith.mulf %mul3A_77, %add3A_75 : vector<16xf32>
      %max3A = arith.maximumf %add3A_75, %mul3A_78 : vector<16xf32>
      %broadcast_in_dim3A_79 = arith.constant 0 : i32
      %broadcast_in_dim3A_80 = vector.broadcast %broadcast_in_dim3A_79 : i32 to vector<16xi32>
      %exp3A = math.exp %max3A : vector<16xf32>
      tpu.vector_store_idx %arg11[%add3A_69, %broadcast_in_dim3A_80], %exp3A : memref<64x16xf32, #tpu.memory_space<vmem>>[vector<16xi32>, vector<16xi32>], vector<16xf32>,
      %broadcast_in_dim3A_81 = arith.constant 1 : i32
      %broadcast_in_dim3A_82 = vector.broadcast %broadcast_in_dim3A_81 : i32 to vector<16xi32>
      %gather3A_83 = tpu.vector_load_idx %arg12[%add3A_69, %broadcast_in_dim3A_82] : memref<64x16xf32, #tpu.memory_space<vmem>>[vector<16xi32>, vector<16xi32>], vector<16xf32>,
      %broadcast_in_dim3A_84 = arith.constant 5 : i32
      %broadcast_in_dim3A_85 = vector.broadcast %broadcast_in_dim3A_84 : i32 to vector<16xi32>
      %gather3A_86 = tpu.vector_load_idx %arg13[%add3A_69, %broadcast_in_dim3A_85] : memref<64x16xf32, #tpu.memory_space<vmem>>[vector<16xi32>, vector<16xi32>], vector<16xf32>,
      %add3A_87 = arith.addf %gather3A_83, %gather3A_86 : vector<16xf32>
      %mul3A_88 = arith.constant 2.000000e-01 : f32
      %mul3A_89 = vector.broadcast %mul3A_88 : f32 to vector<16xf32>
      %mul3A_90 = arith.mulf %mul3A_89, %add3A_87 : vector<16xf32>
      %max3A_91 = arith.maximumf %add3A_87, %mul3A_90 : vector<16xf32>
      %broadcast_in_dim3A_92 = arith.constant 1 : i32
      %broadcast_in_dim3A_93 = vector.broadcast %broadcast_in_dim3A_92 : i32 to vector<16xi32>
      %exp3A_94 = math.exp %max3A_91 : vector<16xf32>
      tpu.vector_store_idx %arg11[%add3A_69, %broadcast_in_dim3A_93], %exp3A_94 : memref<64x16xf32, #tpu.memory_space<vmem>>[vector<16xi32>, vector<16xi32>], vector<16xf32>,
      %broadcast_in_dim3A_95 = arith.constant 2 : i32
      %broadcast_in_dim3A_96 = vector.broadcast %broadcast_in_dim3A_95 : i32 to vector<16xi32>
      %gather3A_97 = tpu.vector_load_idx %arg12[%add3A_69, %broadcast_in_dim3A_96] : memref<64x16xf32, #tpu.memory_space<vmem>>[vector<16xi32>, vector<16xi32>], vector<16xf32>,
      %broadcast_in_dim3A_98 = arith.constant 6 : i32
      %broadcast_in_dim3A_99 = vector.broadcast %broadcast_in_dim3A_98 : i32 to vector<16xi32>
      %gather3A_100 = tpu.vector_load_idx %arg13[%add3A_69, %broadcast_in_dim3A_99] : memref<64x16xf32, #tpu.memory_space<vmem>>[vector<16xi32>, vector<16xi32>], vector<16xf32>,
      %add3A_101 = arith.addf %gather3A_97, %gather3A_100 : vector<16xf32>
      %mul3A_102 = arith.constant 2.000000e-01 : f32
      %mul3A_103 = vector.broadcast %mul3A_102 : f32 to vector<16xf32>
      %mul3A_104 = arith.mulf %mul3A_103, %add3A_101 : vector<16xf32>
      %max3A_105 = arith.maximumf %add3A_101, %mul3A_104 : vector<16xf32>
      %broadcast_in_dim3A_106 = arith.constant 2 : i32
      %broadcast_in_dim3A_107 = vector.broadcast %broadcast_in_dim3A_106 : i32 to vector<16xi32>
      %exp3A_108 = math.exp %max3A_105 : vector<16xf32>
      tpu.vector_store_idx %arg11[%add3A_69, %broadcast_in_dim3A_107], %exp3A_108 : memref<64x16xf32, #tpu.memory_space<vmem>>[vector<16xi32>, vector<16xi32>], vector<16xf32>,
      %broadcast_in_dim3A_109 = arith.constant 3 : i32
      %broadcast_in_dim3A_110 = vector.broadcast %broadcast_in_dim3A_109 : i32 to vector<16xi32>
      %gather3A_111 = tpu.vector_load_idx %arg12[%add3A_69, %broadcast_in_dim3A_110] : memref<64x16xf32, #tpu.memory_space<vmem>>[vector<16xi32>, vector<16xi32>], vector<16xf32>,
      %broadcast_in_dim3A_112 = arith.constant 7 : i32
      %broadcast_in_dim3A_113 = vector.broadcast %broadcast_in_dim3A_112 : i32 to vector<16xi32>
      %gather3A_114 = tpu.vector_load_idx %arg13[%add3A_69, %broadcast_in_dim3A_113] : memref<64x16xf32, #tpu.memory_space<vmem>>[vector<16xi32>, vector<16xi32>], vector<16xf32>,
      %add3A_115 = arith.addf %gather3A_111, %gather3A_114 : vector<16xf32>
      %mul3A_116 = arith.constant 2.000000e-01 : f32
      %mul3A_117 = vector.broadcast %mul3A_116 : f32 to vector<16xf32>
      %mul3A_118 = arith.mulf %mul3A_117, %add3A_115 : vector<16xf32>
      %max3A_119 = arith.maximumf %add3A_115, %mul3A_118 : vector<16xf32>
      %broadcast_in_dim3A_120 = arith.constant 3 : i32
      %broadcast_in_dim3A_121 = vector.broadcast %broadcast_in_dim3A_120 : i32 to vector<16xi32>
      %exp3A_122 = math.exp %max3A_119 : vector<16xf32>
      tpu.vector_store_idx %arg11[%add3A_69, %broadcast_in_dim3A_121], %exp3A_122 : memref<64x16xf32, #tpu.memory_space<vmem>>[vector<16xi32>, vector<16xi32>], vector<16xf32>,
      %add3A_123 = arith.constant 16 : i32
      %add3A_124 = vector.broadcast %add3A_123 : i32 to vector<16xi32>
      %add3A_125 = arith.addi %add3A_124, %iota3A : vector<16xi32>
      %broadcast_in_dim3A_126 = arith.constant 0 : i32
      %broadcast_in_dim3A_127 = vector.broadcast %broadcast_in_dim3A_126 : i32 to vector<16xi32>
      %gather3A_128 = tpu.vector_load_idx %arg12[%add3A_125, %broadcast_in_dim3A_127] : memref<64x16xf32, #tpu.memory_space<vmem>>[vector<16xi32>, vector<16xi32>], vector<16xf32>,
      %broadcast_in_dim3A_129 = arith.constant 4 : i32
      %broadcast_in_dim3A_130 = vector.broadcast %broadcast_in_dim3A_129 : i32 to vector<16xi32>
      %gather3A_131 = tpu.vector_load_idx %arg13[%add3A_125, %broadcast_in_dim3A_130] : memref<64x16xf32, #tpu.memory_space<vmem>>[vector<16xi32>, vector<16xi32>], vector<16xf32>,
      %add3A_132 = arith.addf %gather3A_128, %gather3A_131 : vector<16xf32>
      %mul3A_133 = arith.constant 2.000000e-01 : f32
      %mul3A_134 = vector.broadcast %mul3A_133 : f32 to vector<16xf32>
      %mul3A_135 = arith.mulf %mul3A_134, %add3A_132 : vector<16xf32>
      %max3A_136 = arith.maximumf %add3A_132, %mul3A_135 : vector<16xf32>
      %broadcast_in_dim3A_137 = arith.constant 0 : i32
      %broadcast_in_dim3A_138 = vector.broadcast %broadcast_in_dim3A_137 : i32 to vector<16xi32>
      %exp3A_139 = math.exp %max3A_136 : vector<16xf32>
      tpu.vector_store_idx %arg11[%add3A_125, %broadcast_in_dim3A_138], %exp3A_139 : memref<64x16xf32, #tpu.memory_space<vmem>>[vector<16xi32>, vector<16xi32>], vector<16xf32>,
      %broadcast_in_dim3A_140 = arith.constant 1 : i32
      %broadcast_in_dim3A_141 = vector.broadcast %broadcast_in_dim3A_140 : i32 to vector<16xi32>
      %gather3A_142 = tpu.vector_load_idx %arg12[%add3A_125, %broadcast_in_dim3A_141] : memref<64x16xf32, #tpu.memory_space<vmem>>[vector<16xi32>, vector<16xi32>], vector<16xf32>,
      %broadcast_in_dim3A_143 = arith.constant 5 : i32
      %broadcast_in_dim3A_144 = vector.broadcast %broadcast_in_dim3A_143 : i32 to vector<16xi32>
      %gather3A_145 = tpu.vector_load_idx %arg13[%add3A_125, %broadcast_in_dim3A_144] : memref<64x16xf32, #tpu.memory_space<vmem>>[vector<16xi32>, vector<16xi32>], vector<16xf32>,
      %add3A_146 = arith.addf %gather3A_142, %gather3A_145 : vector<16xf32>
      %mul3A_147 = arith.constant 2.000000e-01 : f32
      %mul3A_148 = vector.broadcast %mul3A_147 : f32 to vector<16xf32>
      %mul3A_149 = arith.mulf %mul3A_148, %add3A_146 : vector<16xf32>
      %max3A_150 = arith.maximumf %add3A_146, %mul3A_149 : vector<16xf32>
      %broadcast_in_dim3A_151 = arith.constant 1 : i32
      %broadcast_in_dim3A_152 = vector.broadcast %broadcast_in_dim3A_151 : i32 to vector<16xi32>
      %exp3A_153 = math.exp %max3A_150 : vector<16xf32>
      tpu.vector_store_idx %arg11[%add3A_125, %broadcast_in_dim3A_152], %exp3A_153 : memref<64x16xf32, #tpu.memory_space<vmem>>[vector<16xi32>, vector<16xi32>], vector<16xf32>,
      %broadcast_in_dim3A_154 = arith.constant 2 : i32
      %broadcast_in_dim3A_155 = vector.broadcast %broadcast_in_dim3A_154 : i32 to vector<16xi32>
      %gather3A_156 = tpu.vector_load_idx %arg12[%add3A_125, %broadcast_in_dim3A_155] : memref<64x16xf32, #tpu.memory_space<vmem>>[vector<16xi32>, vector<16xi32>], vector<16xf32>,
      %broadcast_in_dim3A_157 = arith.constant 6 : i32
      %broadcast_in_dim3A_158 = vector.broadcast %broadcast_in_dim3A_157 : i32 to vector<16xi32>
      %gather3A_159 = tpu.vector_load_idx %arg13[%add3A_125, %broadcast_in_dim3A_158] : memref<64x16xf32, #tpu.memory_space<vmem>>[vector<16xi32>, vector<16xi32>], vector<16xf32>,
      %add3A_160 = arith.addf %gather3A_156, %gather3A_159 : vector<16xf32>
      %mul3A_161 = arith.constant 2.000000e-01 : f32
      %mul3A_162 = vector.broadcast %mul3A_161 : f32 to vector<16xf32>
      %mul3A_163 = arith.mulf %mul3A_162, %add3A_160 : vector<16xf32>
      %max3A_164 = arith.maximumf %add3A_160, %mul3A_163 : vector<16xf32>
      %broadcast_in_dim3A_165 = arith.constant 2 : i32
      %broadcast_in_dim3A_166 = vector.broadcast %broadcast_in_dim3A_165 : i32 to vector<16xi32>
      %exp3A_167 = math.exp %max3A_164 : vector<16xf32>
      tpu.vector_store_idx %arg11[%add3A_125, %broadcast_in_dim3A_166], %exp3A_167 : memref<64x16xf32, #tpu.memory_space<vmem>>[vector<16xi32>, vector<16xi32>], vector<16xf32>,
      %broadcast_in_dim3A_168 = arith.constant 3 : i32
      %broadcast_in_dim3A_169 = vector.broadcast %broadcast_in_dim3A_168 : i32 to vector<16xi32>
      %gather3A_170 = tpu.vector_load_idx %arg12[%add3A_125, %broadcast_in_dim3A_169] : memref<64x16xf32, #tpu.memory_space<vmem>>[vector<16xi32>, vector<16xi32>], vector<16xf32>,
      %broadcast_in_dim3A_171 = arith.constant 7 : i32
      %broadcast_in_dim3A_172 = vector.broadcast %broadcast_in_dim3A_171 : i32 to vector<16xi32>
      %gather3A_173 = tpu.vector_load_idx %arg13[%add3A_125, %broadcast_in_dim3A_172] : memref<64x16xf32, #tpu.memory_space<vmem>>[vector<16xi32>, vector<16xi32>], vector<16xf32>,
      %add3A_174 = arith.addf %gather3A_170, %gather3A_173 : vector<16xf32>
      %mul3A_175 = arith.constant 2.000000e-01 : f32
      %mul3A_176 = vector.broadcast %mul3A_175 : f32 to vector<16xf32>
      %mul3A_177 = arith.mulf %mul3A_176, %add3A_174 : vector<16xf32>
      %max3A_178 = arith.maximumf %add3A_174, %mul3A_177 : vector<16xf32>
      %broadcast_in_dim3A_179 = arith.constant 3 : i32
      %broadcast_in_dim3A_180 = vector.broadcast %broadcast_in_dim3A_179 : i32 to vector<16xi32>
      %exp3A_181 = math.exp %max3A_178 : vector<16xf32>
      tpu.vector_store_idx %arg11[%add3A_125, %broadcast_in_dim3A_180], %exp3A_181 : memref<64x16xf32, #tpu.memory_space<vmem>>[vector<16xi32>, vector<16xi32>], vector<16xf32>,
      %add3A_182 = arith.constant 32 : i32
      %add3A_183 = vector.broadcast %add3A_182 : i32 to vector<16xi32>
      %add3A_184 = arith.addi %add3A_183, %iota3A : vector<16xi32>
      %broadcast_in_dim3A_185 = arith.constant 0 : i32
      %broadcast_in_dim3A_186 = vector.broadcast %broadcast_in_dim3A_185 : i32 to vector<16xi32>
      %gather3A_187 = tpu.vector_load_idx %arg12[%add3A_184, %broadcast_in_dim3A_186] : memref<64x16xf32, #tpu.memory_space<vmem>>[vector<16xi32>, vector<16xi32>], vector<16xf32>,
      %broadcast_in_dim3A_188 = arith.constant 4 : i32
      %broadcast_in_dim3A_189 = vector.broadcast %broadcast_in_dim3A_188 : i32 to vector<16xi32>
      %gather3A_190 = tpu.vector_load_idx %arg13[%add3A_184, %broadcast_in_dim3A_189] : memref<64x16xf32, #tpu.memory_space<vmem>>[vector<16xi32>, vector<16xi32>], vector<16xf32>,
      %add3A_191 = arith.addf %gather3A_187, %gather3A_190 : vector<16xf32>
      %mul3A_192 = arith.constant 2.000000e-01 : f32
      %mul3A_193 = vector.broadcast %mul3A_192 : f32 to vector<16xf32>
      %mul3A_194 = arith.mulf %mul3A_193, %add3A_191 : vector<16xf32>
      %max3A_195 = arith.maximumf %add3A_191, %mul3A_194 : vector<16xf32>
      %broadcast_in_dim3A_196 = arith.constant 0 : i32
      %broadcast_in_dim3A_197 = vector.broadcast %broadcast_in_dim3A_196 : i32 to vector<16xi32>
      %exp3A_198 = math.exp %max3A_195 : vector<16xf32>
      tpu.vector_store_idx %arg11[%add3A_184, %broadcast_in_dim3A_197], %exp3A_198 : memref<64x16xf32, #tpu.memory_space<vmem>>[vector<16xi32>, vector<16xi32>], vector<16xf32>,
      %broadcast_in_dim3A_199 = arith.constant 1 : i32
      %broadcast_in_dim3A_200 = vector.broadcast %broadcast_in_dim3A_199 : i32 to vector<16xi32>
      %gather3A_201 = tpu.vector_load_idx %arg12[%add3A_184, %broadcast_in_dim3A_200] : memref<64x16xf32, #tpu.memory_space<vmem>>[vector<16xi32>, vector<16xi32>], vector<16xf32>,
      %broadcast_in_dim3A_202 = arith.constant 5 : i32
      %broadcast_in_dim3A_203 = vector.broadcast %broadcast_in_dim3A_202 : i32 to vector<16xi32>
      %gather3A_204 = tpu.vector_load_idx %arg13[%add3A_184, %broadcast_in_dim3A_203] : memref<64x16xf32, #tpu.memory_space<vmem>>[vector<16xi32>, vector<16xi32>], vector<16xf32>,
      %add3A_205 = arith.addf %gather3A_201, %gather3A_204 : vector<16xf32>
      %mul3A_206 = arith.constant 2.000000e-01 : f32
      %mul3A_207 = vector.broadcast %mul3A_206 : f32 to vector<16xf32>
      %mul3A_208 = arith.mulf %mul3A_207, %add3A_205 : vector<16xf32>
      %max3A_209 = arith.maximumf %add3A_205, %mul3A_208 : vector<16xf32>
      %broadcast_in_dim3A_210 = arith.constant 1 : i32
      %broadcast_in_dim3A_211 = vector.broadcast %broadcast_in_dim3A_210 : i32 to vector<16xi32>
      %exp3A_212 = math.exp %max3A_209 : vector<16xf32>
      tpu.vector_store_idx %arg11[%add3A_184, %broadcast_in_dim3A_211], %exp3A_212 : memref<64x16xf32, #tpu.memory_space<vmem>>[vector<16xi32>, vector<16xi32>], vector<16xf32>,
      %broadcast_in_dim3A_213 = arith.constant 2 : i32
      %broadcast_in_dim3A_214 = vector.broadcast %broadcast_in_dim3A_213 : i32 to vector<16xi32>
      %gather3A_215 = tpu.vector_load_idx %arg12[%add3A_184, %broadcast_in_dim3A_214] : memref<64x16xf32, #tpu.memory_space<vmem>>[vector<16xi32>, vector<16xi32>], vector<16xf32>,
      %broadcast_in_dim3A_216 = arith.constant 6 : i32
      %broadcast_in_dim3A_217 = vector.broadcast %broadcast_in_dim3A_216 : i32 to vector<16xi32>
      %gather3A_218 = tpu.vector_load_idx %arg13[%add3A_184, %broadcast_in_dim3A_217] : memref<64x16xf32, #tpu.memory_space<vmem>>[vector<16xi32>, vector<16xi32>], vector<16xf32>,
      %add3A_219 = arith.addf %gather3A_215, %gather3A_218 : vector<16xf32>
      %mul3A_220 = arith.constant 2.000000e-01 : f32
      %mul3A_221 = vector.broadcast %mul3A_220 : f32 to vector<16xf32>
      %mul3A_222 = arith.mulf %mul3A_221, %add3A_219 : vector<16xf32>
      %max3A_223 = arith.maximumf %add3A_219, %mul3A_222 : vector<16xf32>
      %broadcast_in_dim3A_224 = arith.constant 2 : i32
      %broadcast_in_dim3A_225 = vector.broadcast %broadcast_in_dim3A_224 : i32 to vector<16xi32>
      %exp3A_226 = math.exp %max3A_223 : vector<16xf32>
      tpu.vector_store_idx %arg11[%add3A_184, %broadcast_in_dim3A_225], %exp3A_226 : memref<64x16xf32, #tpu.memory_space<vmem>>[vector<16xi32>, vector<16xi32>], vector<16xf32>,
      %broadcast_in_dim3A_227 = arith.constant 3 : i32
      %broadcast_in_dim3A_228 = vector.broadcast %broadcast_in_dim3A_227 : i32 to vector<16xi32>
      %gather3A_229 = tpu.vector_load_idx %arg12[%add3A_184, %broadcast_in_dim3A_228] : memref<64x16xf32, #tpu.memory_space<vmem>>[vector<16xi32>, vector<16xi32>], vector<16xf32>,
      %broadcast_in_dim3A_230 = arith.constant 7 : i32
      %broadcast_in_dim3A_231 = vector.broadcast %broadcast_in_dim3A_230 : i32 to vector<16xi32>
      %gather3A_232 = tpu.vector_load_idx %arg13[%add3A_184, %broadcast_in_dim3A_231] : memref<64x16xf32, #tpu.memory_space<vmem>>[vector<16xi32>, vector<16xi32>], vector<16xf32>,
      %add3A_233 = arith.addf %gather3A_229, %gather3A_232 : vector<16xf32>
      %mul3A_234 = arith.constant 2.000000e-01 : f32
      %mul3A_235 = vector.broadcast %mul3A_234 : f32 to vector<16xf32>
      %mul3A_236 = arith.mulf %mul3A_235, %add3A_233 : vector<16xf32>
      %max3A_237 = arith.maximumf %add3A_233, %mul3A_236 : vector<16xf32>
      %broadcast_in_dim3A_238 = arith.constant 3 : i32
      %broadcast_in_dim3A_239 = vector.broadcast %broadcast_in_dim3A_238 : i32 to vector<16xi32>
      %exp3A_240 = math.exp %max3A_237 : vector<16xf32>
      tpu.vector_store_idx %arg11[%add3A_184, %broadcast_in_dim3A_239], %exp3A_240 : memref<64x16xf32, #tpu.memory_space<vmem>>[vector<16xi32>, vector<16xi32>], vector<16xf32>,
      %add3A_241 = arith.constant 48 : i32
      %add3A_242 = vector.broadcast %add3A_241 : i32 to vector<16xi32>
      %add3A_243 = arith.addi %add3A_242, %iota3A : vector<16xi32>
      %broadcast_in_dim3A_244 = arith.constant 0 : i32
      %broadcast_in_dim3A_245 = vector.broadcast %broadcast_in_dim3A_244 : i32 to vector<16xi32>
      %gather3A_246 = tpu.vector_load_idx %arg12[%add3A_243, %broadcast_in_dim3A_245] : memref<64x16xf32, #tpu.memory_space<vmem>>[vector<16xi32>, vector<16xi32>], vector<16xf32>,
      %broadcast_in_dim3A_247 = arith.constant 4 : i32
      %broadcast_in_dim3A_248 = vector.broadcast %broadcast_in_dim3A_247 : i32 to vector<16xi32>
      %gather3A_249 = tpu.vector_load_idx %arg13[%add3A_243, %broadcast_in_dim3A_248] : memref<64x16xf32, #tpu.memory_space<vmem>>[vector<16xi32>, vector<16xi32>], vector<16xf32>,
      %add3A_250 = arith.addf %gather3A_246, %gather3A_249 : vector<16xf32>
      %mul3A_251 = arith.constant 2.000000e-01 : f32
      %mul3A_252 = vector.broadcast %mul3A_251 : f32 to vector<16xf32>
      %mul3A_253 = arith.mulf %mul3A_252, %add3A_250 : vector<16xf32>
      %max3A_254 = arith.maximumf %add3A_250, %mul3A_253 : vector<16xf32>
      %broadcast_in_dim3A_255 = arith.constant 0 : i32
      %broadcast_in_dim3A_256 = vector.broadcast %broadcast_in_dim3A_255 : i32 to vector<16xi32>
      %exp3A_257 = math.exp %max3A_254 : vector<16xf32>
      tpu.vector_store_idx %arg11[%add3A_243, %broadcast_in_dim3A_256], %exp3A_257 : memref<64x16xf32, #tpu.memory_space<vmem>>[vector<16xi32>, vector<16xi32>], vector<16xf32>,
      %broadcast_in_dim3A_258 = arith.constant 1 : i32
      %broadcast_in_dim3A_259 = vector.broadcast %broadcast_in_dim3A_258 : i32 to vector<16xi32>
      %gather3A_260 = tpu.vector_load_idx %arg12[%add3A_243, %broadcast_in_dim3A_259] : memref<64x16xf32, #tpu.memory_space<vmem>>[vector<16xi32>, vector<16xi32>], vector<16xf32>,
      %broadcast_in_dim3A_261 = arith.constant 5 : i32
      %broadcast_in_dim3A_262 = vector.broadcast %broadcast_in_dim3A_261 : i32 to vector<16xi32>
      %gather3A_263 = tpu.vector_load_idx %arg13[%add3A_243, %broadcast_in_dim3A_262] : memref<64x16xf32, #tpu.memory_space<vmem>>[vector<16xi32>, vector<16xi32>], vector<16xf32>,
      %add3A_264 = arith.addf %gather3A_260, %gather3A_263 : vector<16xf32>
      %mul3A_265 = arith.constant 2.000000e-01 : f32
      %mul3A_266 = vector.broadcast %mul3A_265 : f32 to vector<16xf32>
      %mul3A_267 = arith.mulf %mul3A_266, %add3A_264 : vector<16xf32>
      %max3A_268 = arith.maximumf %add3A_264, %mul3A_267 : vector<16xf32>
      %broadcast_in_dim3A_269 = arith.constant 1 : i32
      %broadcast_in_dim3A_270 = vector.broadcast %broadcast_in_dim3A_269 : i32 to vector<16xi32>
      %exp3A_271 = math.exp %max3A_268 : vector<16xf32>
      tpu.vector_store_idx %arg11[%add3A_243, %broadcast_in_dim3A_270], %exp3A_271 : memref<64x16xf32, #tpu.memory_space<vmem>>[vector<16xi32>, vector<16xi32>], vector<16xf32>,
      %broadcast_in_dim3A_272 = arith.constant 2 : i32
      %broadcast_in_dim3A_273 = vector.broadcast %broadcast_in_dim3A_272 : i32 to vector<16xi32>
      %gather3A_274 = tpu.vector_load_idx %arg12[%add3A_243, %broadcast_in_dim3A_273] : memref<64x16xf32, #tpu.memory_space<vmem>>[vector<16xi32>, vector<16xi32>], vector<16xf32>,
      %broadcast_in_dim3A_275 = arith.constant 6 : i32
      %broadcast_in_dim3A_276 = vector.broadcast %broadcast_in_dim3A_275 : i32 to vector<16xi32>
      %gather3A_277 = tpu.vector_load_idx %arg13[%add3A_243, %broadcast_in_dim3A_276] : memref<64x16xf32, #tpu.memory_space<vmem>>[vector<16xi32>, vector<16xi32>], vector<16xf32>,
      %add3A_278 = arith.addf %gather3A_274, %gather3A_277 : vector<16xf32>
      %mul3A_279 = arith.constant 2.000000e-01 : f32
      %mul3A_280 = vector.broadcast %mul3A_279 : f32 to vector<16xf32>
      %mul3A_281 = arith.mulf %mul3A_280, %add3A_278 : vector<16xf32>
      %max3A_282 = arith.maximumf %add3A_278, %mul3A_281 : vector<16xf32>
      %broadcast_in_dim3A_283 = arith.constant 2 : i32
      %broadcast_in_dim3A_284 = vector.broadcast %broadcast_in_dim3A_283 : i32 to vector<16xi32>
      %exp3A_285 = math.exp %max3A_282 : vector<16xf32>
      tpu.vector_store_idx %arg11[%add3A_243, %broadcast_in_dim3A_284], %exp3A_285 : memref<64x16xf32, #tpu.memory_space<vmem>>[vector<16xi32>, vector<16xi32>], vector<16xf32>,
      %broadcast_in_dim3A_286 = arith.constant 3 : i32
      %broadcast_in_dim3A_287 = vector.broadcast %broadcast_in_dim3A_286 : i32 to vector<16xi32>
      %gather3A_288 = tpu.vector_load_idx %arg12[%add3A_243, %broadcast_in_dim3A_287] : memref<64x16xf32, #tpu.memory_space<vmem>>[vector<16xi32>, vector<16xi32>], vector<16xf32>,
      %broadcast_in_dim3A_289 = arith.constant 7 : i32
      %broadcast_in_dim3A_290 = vector.broadcast %broadcast_in_dim3A_289 : i32 to vector<16xi32>
      %gather3A_291 = tpu.vector_load_idx %arg13[%add3A_243, %broadcast_in_dim3A_290] : memref<64x16xf32, #tpu.memory_space<vmem>>[vector<16xi32>, vector<16xi32>], vector<16xf32>,
      %add3A_292 = arith.addf %gather3A_288, %gather3A_291 : vector<16xf32>
      %mul3A_293 = arith.constant 2.000000e-01 : f32
      %mul3A_294 = vector.broadcast %mul3A_293 : f32 to vector<16xf32>
      %mul3A_295 = arith.mulf %mul3A_294, %add3A_292 : vector<16xf32>
      %max3A_296 = arith.maximumf %add3A_292, %mul3A_295 : vector<16xf32>
      %broadcast_in_dim3A_297 = arith.constant 3 : i32
      %broadcast_in_dim3A_298 = vector.broadcast %broadcast_in_dim3A_297 : i32 to vector<16xi32>
      %exp3A_299 = math.exp %max3A_296 : vector<16xf32>
      tpu.vector_store_idx %arg11[%add3A_243, %broadcast_in_dim3A_298], %exp3A_299 : memref<64x16xf32, #tpu.memory_space<vmem>>[vector<16xi32>, vector<16xi32>], vector<16xf32>,
      %dma_wait3A_300 = arith.constant 0 : i32
      %dma_wait3A_301 = arith.constant 0 : i32
      %dma_wait3A_302 = tpu.memref_slice %arg2[%dma_wait3A_300, %dma_wait3A_301] : memref<10000x128xf32, #tpu.memory_space<hbm>> -> memref<10000x128xf32, #tpu.memory_space<hbm>>
      tpu.wait_indirect_dma semaphore(%arg18 : memref<!tpu.dma_semaphore, #tpu.memory_space<semaphore_mem>>) src(%dma_wait3A_302 : memref<10000x128xf32, #tpu.memory_space<hbm>>) dst(%arg10 : memref<64x128xf32, #tpu.memory_space<vmem>>)
      %scan3A_303 = arith.constant 0 : i32
      %scan3A_304 = arith.constant 0 : i32
      %scan3A_305 = arith.constant 64 : i32
      %scan3A_306 = arith.addi %scan3A_304, %scan3A_305 : i32
      %scan3A_307 = arith.constant 1 : i32
      scf.for %scan3A_309 = %scan3A_304 to %scan3A_306 step %scan3A_307  : i32 {
        %get3A = arith.index_cast %scan3A_309 : i32 to index
        %get3A_310 = arith.constant 0 : index
        %get3A_311 = tpu.vector_load %arg11[%get3A, %get3A_310] {strides = array<i32>} : memref<64x16xf32, #tpu.memory_space<vmem>>, vector<16xf32>,
        %slice3A = vector.extract_strided_slice %get3A_311 {offsets = [0], sizes = [1], strides = [1]} : vector<16xf32> to vector<1xf32>
        %squeeze3A = vector.extract %slice3A[0] : f32 from vector<1xf32>
        %broadcast_in_dim3A_312 = vector.broadcast %squeeze3A : f32 to vector<16xf32>
        %get3A_313 = arith.index_cast %scan3A_309 : i32 to index
        %get3A_314 = arith.constant 0 : index
        %get3A_315 = tpu.vector_load %arg10[%get3A_313, %get3A_314] {strides = array<i32>} : memref<64x128xf32, #tpu.memory_space<vmem>>, vector<16xf32>,
        %mul3A_316 = arith.mulf %get3A_315, %broadcast_in_dim3A_312 : vector<16xf32>
        %swap3A = arith.index_cast %scan3A_309 : i32 to index
        %swap3A_317 = arith.constant 0 : index
        %swap3A_318 = tpu.vector_load %arg10[%swap3A, %swap3A_317] {strides = array<i32>} : memref<64x128xf32, #tpu.memory_space<vmem>>, vector<16xf32>,
        tpu.vector_store %arg10[%swap3A, %swap3A_317], %mul3A_316 {strides = array<i32>} : memref<64x128xf32, #tpu.memory_space<vmem>>, vector<16xf32>,
        %get3A_319 = arith.index_cast %scan3A_309 : i32 to index
        %get3A_320 = arith.constant 16 : index
        %get3A_321 = tpu.vector_load %arg10[%get3A_319, %get3A_320] {strides = array<i32>} : memref<64x128xf32, #tpu.memory_space<vmem>>, vector<16xf32>,
        %mul3A_322 = arith.mulf %get3A_321, %broadcast_in_dim3A_312 : vector<16xf32>
        %swap3A_323 = arith.index_cast %scan3A_309 : i32 to index
        %swap3A_324 = arith.constant 16 : index
        %swap3A_325 = tpu.vector_load %arg10[%swap3A_323, %swap3A_324] {strides = array<i32>} : memref<64x128xf32, #tpu.memory_space<vmem>>, vector<16xf32>,
        tpu.vector_store %arg10[%swap3A_323, %swap3A_324], %mul3A_322 {strides = array<i32>} : memref<64x128xf32, #tpu.memory_space<vmem>>, vector<16xf32>,
        %slice3A_326 = vector.extract_strided_slice %get3A_311 {offsets = [1], sizes = [1], strides = [1]} : vector<16xf32> to vector<1xf32>
        %squeeze3A_327 = vector.extract %slice3A_326[0] : f32 from vector<1xf32>
        %broadcast_in_dim3A_328 = vector.broadcast %squeeze3A_327 : f32 to vector<16xf32>
        %get3A_329 = arith.index_cast %scan3A_309 : i32 to index
        %get3A_330 = arith.constant 32 : index
        %get3A_331 = tpu.vector_load %arg10[%get3A_329, %get3A_330] {strides = array<i32>} : memref<64x128xf32, #tpu.memory_space<vmem>>, vector<16xf32>,
        %mul3A_332 = arith.mulf %get3A_331, %broadcast_in_dim3A_328 : vector<16xf32>
        %swap3A_333 = arith.index_cast %scan3A_309 : i32 to index
        %swap3A_334 = arith.constant 32 : index
        %swap3A_335 = tpu.vector_load %arg10[%swap3A_333, %swap3A_334] {strides = array<i32>} : memref<64x128xf32, #tpu.memory_space<vmem>>, vector<16xf32>,
        tpu.vector_store %arg10[%swap3A_333, %swap3A_334], %mul3A_332 {strides = array<i32>} : memref<64x128xf32, #tpu.memory_space<vmem>>, vector<16xf32>,
        %get3A_336 = arith.index_cast %scan3A_309 : i32 to index
        %get3A_337 = arith.constant 48 : index
        %get3A_338 = tpu.vector_load %arg10[%get3A_336, %get3A_337] {strides = array<i32>} : memref<64x128xf32, #tpu.memory_space<vmem>>, vector<16xf32>,
        %mul3A_339 = arith.mulf %get3A_338, %broadcast_in_dim3A_328 : vector<16xf32>
        %swap3A_340 = arith.index_cast %scan3A_309 : i32 to index
        %swap3A_341 = arith.constant 48 : index
        %swap3A_342 = tpu.vector_load %arg10[%swap3A_340, %swap3A_341] {strides = array<i32>} : memref<64x128xf32, #tpu.memory_space<vmem>>, vector<16xf32>,
        tpu.vector_store %arg10[%swap3A_340, %swap3A_341], %mul3A_339 {strides = array<i32>} : memref<64x128xf32, #tpu.memory_space<vmem>>, vector<16xf32>,
        %slice3A_343 = vector.extract_strided_slice %get3A_311 {offsets = [2], sizes = [1], strides = [1]} : vector<16xf32> to vector<1xf32>
        %squeeze3A_344 = vector.extract %slice3A_343[0] : f32 from vector<1xf32>
        %broadcast_in_dim3A_345 = vector.broadcast %squeeze3A_344 : f32 to vector<16xf32>
        %get3A_346 = arith.index_cast %scan3A_309 : i32 to index
        %get3A_347 = arith.constant 64 : index
        %get3A_348 = tpu.vector_load %arg10[%get3A_346, %get3A_347] {strides = array<i32>} : memref<64x128xf32, #tpu.memory_space<vmem>>, vector<16xf32>,
        %mul3A_349 = arith.mulf %get3A_348, %broadcast_in_dim3A_345 : vector<16xf32>
        %swap3A_350 = arith.index_cast %scan3A_309 : i32 to index
        %swap3A_351 = arith.constant 64 : index
        %swap3A_352 = tpu.vector_load %arg10[%swap3A_350, %swap3A_351] {strides = array<i32>} : memref<64x128xf32, #tpu.memory_space<vmem>>, vector<16xf32>,
        tpu.vector_store %arg10[%swap3A_350, %swap3A_351], %mul3A_349 {strides = array<i32>} : memref<64x128xf32, #tpu.memory_space<vmem>>, vector<16xf32>,
        %get3A_353 = arith.index_cast %scan3A_309 : i32 to index
        %get3A_354 = arith.constant 80 : index
        %get3A_355 = tpu.vector_load %arg10[%get3A_353, %get3A_354] {strides = array<i32>} : memref<64x128xf32, #tpu.memory_space<vmem>>, vector<16xf32>,
        %mul3A_356 = arith.mulf %get3A_355, %broadcast_in_dim3A_345 : vector<16xf32>
        %swap3A_357 = arith.index_cast %scan3A_309 : i32 to index
        %swap3A_358 = arith.constant 80 : index
        %swap3A_359 = tpu.vector_load %arg10[%swap3A_357, %swap3A_358] {strides = array<i32>} : memref<64x128xf32, #tpu.memory_space<vmem>>, vector<16xf32>,
        tpu.vector_store %arg10[%swap3A_357, %swap3A_358], %mul3A_356 {strides = array<i32>} : memref<64x128xf32, #tpu.memory_space<vmem>>, vector<16xf32>,
        %slice3A_360 = vector.extract_strided_slice %get3A_311 {offsets = [3], sizes = [1], strides = [1]} : vector<16xf32> to vector<1xf32>
        %squeeze3A_361 = vector.extract %slice3A_360[0] : f32 from vector<1xf32>
        %broadcast_in_dim3A_362 = vector.broadcast %squeeze3A_361 : f32 to vector<16xf32>
        %get3A_363 = arith.index_cast %scan3A_309 : i32 to index
        %get3A_364 = arith.constant 96 : index
        %get3A_365 = tpu.vector_load %arg10[%get3A_363, %get3A_364] {strides = array<i32>} : memref<64x128xf32, #tpu.memory_space<vmem>>, vector<16xf32>,
        %mul3A_366 = arith.mulf %get3A_365, %broadcast_in_dim3A_362 : vector<16xf32>
        %swap3A_367 = arith.index_cast %scan3A_309 : i32 to index
        %swap3A_368 = arith.constant 96 : index
        %swap3A_369 = tpu.vector_load %arg10[%swap3A_367, %swap3A_368] {strides = array<i32>} : memref<64x128xf32, #tpu.memory_space<vmem>>, vector<16xf32>,
        tpu.vector_store %arg10[%swap3A_367, %swap3A_368], %mul3A_366 {strides = array<i32>} : memref<64x128xf32, #tpu.memory_space<vmem>>, vector<16xf32>,
        %get3A_370 = arith.index_cast %scan3A_309 : i32 to index
        %get3A_371 = arith.constant 112 : index
        %get3A_372 = tpu.vector_load %arg10[%get3A_370, %get3A_371] {strides = array<i32>} : memref<64x128xf32, #tpu.memory_space<vmem>>, vector<16xf32>,
        %mul3A_373 = arith.mulf %get3A_372, %broadcast_in_dim3A_362 : vector<16xf32>
        %swap3A_374 = arith.index_cast %scan3A_309 : i32 to index
        %swap3A_375 = arith.constant 112 : index
        %swap3A_376 = tpu.vector_load %arg10[%swap3A_374, %swap3A_375] {strides = array<i32>} : memref<64x128xf32, #tpu.memory_space<vmem>>, vector<16xf32>,
        tpu.vector_store %arg10[%swap3A_374, %swap3A_375], %mul3A_373 {strides = array<i32>} : memref<64x128xf32, #tpu.memory_space<vmem>>, vector<16xf32>,
      }
      %scan3A_308 = arith.constant 64 : i32
      "tpu.region"() ({
        %run_scoped3A = tpu.sem_alloc : memref<!tpu.dma_semaphore, #tpu.memory_space<semaphore_mem>>
        %dma_start3A_309 = arith.constant 0 : i32
        %dma_start3A_310 = arith.constant 0 : i32
        %dma_start3A_311 = tpu.memref_slice %arg16[%dma_start3A_309, %dma_start3A_310] : memref<10016x128xf32, #tpu.memory_space<vmem_shared>> -> memref<10016x128xf32, #tpu.memory_space<vmem_shared>>
        tpu.enqueue_indirect_dma source(%arg10 : memref<64x128xf32, #tpu.memory_space<vmem>>) target(%dma_start3A_311 : memref<10016x128xf32, #tpu.memory_space<vmem_shared>>) offsets(%arg9 : memref<64xi32, #tpu.memory_space<vmem>>) semaphore(%run_scoped3A : memref<!tpu.dma_semaphore, #tpu.memory_space<semaphore_mem>>) {add = true}
        %dma_wait3A_312 = arith.constant 0 : i32
        %dma_wait3A_313 = arith.constant 0 : i32
        %dma_wait3A_314 = tpu.memref_slice %arg16[%dma_wait3A_312, %dma_wait3A_313] : memref<10016x128xf32, #tpu.memory_space<vmem_shared>> -> memref<10016x128xf32, #tpu.memory_space<vmem_shared>>
        tpu.wait_indirect_dma semaphore(%run_scoped3A : memref<!tpu.dma_semaphore, #tpu.memory_space<semaphore_mem>>) src(%arg10 : memref<64x128xf32, #tpu.memory_space<vmem>>) dst(%dma_wait3A_314 : memref<10016x128xf32, #tpu.memory_space<vmem_shared>>)
        tpu.yield
      }) : () -> ()
      "tpu.region"() ({
        %run_scoped3A = tpu.sem_alloc : memref<!tpu.dma_semaphore, #tpu.memory_space<semaphore_mem>>
        %dma_start3A_309 = arith.constant 0 : i32
        %dma_start3A_310 = arith.constant 0 : i32
        %dma_start3A_311 = tpu.memref_slice %arg17[%dma_start3A_309, %dma_start3A_310] : memref<10016x16xf32, #tpu.memory_space<vmem_shared>> -> memref<10016x16xf32, #tpu.memory_space<vmem_shared>>
        tpu.enqueue_indirect_dma source(%arg11 : memref<64x16xf32, #tpu.memory_space<vmem>>) target(%dma_start3A_311 : memref<10016x16xf32, #tpu.memory_space<vmem_shared>>) offsets(%arg9 : memref<64xi32, #tpu.memory_space<vmem>>) semaphore(%run_scoped3A : memref<!tpu.dma_semaphore, #tpu.memory_space<semaphore_mem>>) {add = true}
        %dma_wait3A_312 = arith.constant 0 : i32
        %dma_wait3A_313 = arith.constant 0 : i32
        %dma_wait3A_314 = tpu.memref_slice %arg17[%dma_wait3A_312, %dma_wait3A_313] : memref<10016x16xf32, #tpu.memory_space<vmem_shared>> -> memref<10016x16xf32, #tpu.memory_space<vmem_shared>>
        tpu.wait_indirect_dma semaphore(%run_scoped3A : memref<!tpu.dma_semaphore, #tpu.memory_space<semaphore_mem>>) src(%arg11 : memref<64x16xf32, #tpu.memory_space<vmem>>) dst(%dma_wait3A_314 : memref<10016x16xf32, #tpu.memory_space<vmem_shared>>)
        tpu.yield
      }) : () -> ()
    }
    %scan3A_37 = arith.constant 157 : i32
    %barrier3A_38 = arith.constant 0 : index
    tpu.barrier barrier_id(%barrier3A_38)
    %mul3A_39 = arith.constant 624 : i32
    %mul3A_40 = arith.muli %arg1, %mul3A_39 : i32
    %add3A_41 = arith.constant 16 : i32
    %add3A_42 = arith.addi %add3A_41, %mul3A_40 : i32
    "tpu.region"() ({
      %run_scoped3A = tpu.sem_alloc : memref<!tpu.dma_semaphore, #tpu.memory_space<semaphore_mem>>
      %dma_start3A = arith.constant 0 : i32
      %dma_start3A_48 = tpu.memref_slice %arg6[%arg0, %add3A_42, %dma_start3A] : memref<2x10000x128xf32, #tpu.memory_space<hbm>> -> memref<1x624x128xf32, #tpu.memory_space<hbm>>
      %dma_start3A_49 = tpu.memref_squeeze %dma_start3A_48 : memref<1x624x128xf32, #tpu.memory_space<hbm>> -> memref<624x128xf32, #tpu.memory_space<hbm>>
      %dma_start3A_50 = arith.constant 0 : i32
      %dma_start3A_51 = tpu.memref_slice %arg16[%add3A_42, %dma_start3A_50] : memref<10016x128xf32, #tpu.memory_space<vmem_shared>> -> memref<624x128xf32, #tpu.memory_space<vmem_shared>>
      tpu.enqueue_dma source(%dma_start3A_51 : memref<624x128xf32, #tpu.memory_space<vmem_shared>>) target(%dma_start3A_49 : memref<624x128xf32, #tpu.memory_space<hbm>>) target_semaphore(%run_scoped3A : memref<!tpu.dma_semaphore, #tpu.memory_space<semaphore_mem>>)
      %dma_wait3A = arith.constant 0 : i32
      %dma_wait3A_52 = tpu.memref_slice %arg6[%arg0, %add3A_42, %dma_wait3A] : memref<2x10000x128xf32, #tpu.memory_space<hbm>> -> memref<1x624x128xf32, #tpu.memory_space<hbm>>
      %dma_wait3A_53 = tpu.memref_squeeze %dma_wait3A_52 : memref<1x624x128xf32, #tpu.memory_space<hbm>> -> memref<624x128xf32, #tpu.memory_space<hbm>>
      %dma_wait3A_54 = arith.constant 0 : i32
      %dma_wait3A_55 = tpu.memref_slice %arg16[%add3A_42, %dma_wait3A_54] : memref<10016x128xf32, #tpu.memory_space<vmem_shared>> -> memref<624x128xf32, #tpu.memory_space<vmem_shared>>
      tpu.wait_dma2 semaphore(%run_scoped3A : memref<!tpu.dma_semaphore, #tpu.memory_space<semaphore_mem>>) src(%dma_wait3A_55 : memref<624x128xf32, #tpu.memory_space<vmem_shared>>) dst(%dma_wait3A_53 : memref<624x128xf32, #tpu.memory_space<hbm>>)
      tpu.yield
    }) : () -> ()
    "tpu.region"() ({
      %run_scoped3A = tpu.sem_alloc : memref<!tpu.dma_semaphore, #tpu.memory_space<semaphore_mem>>
      %dma_start3A = arith.constant 0 : i32
      %dma_start3A_48 = tpu.memref_slice %arg7[%arg0, %add3A_42, %dma_start3A] : memref<2x10000x16xf32, #tpu.memory_space<hbm>> -> memref<1x624x16xf32, #tpu.memory_space<hbm>>
      %dma_start3A_49 = tpu.memref_squeeze %dma_start3A_48 : memref<1x624x16xf32, #tpu.memory_space<hbm>> -> memref<624x16xf32, #tpu.memory_space<hbm>>
      %dma_start3A_50 = arith.constant 0 : i32
      %dma_start3A_51 = tpu.memref_slice %arg17[%add3A_42, %dma_start3A_50] : memref<10016x16xf32, #tpu.memory_space<vmem_shared>> -> memref<624x16xf32, #tpu.memory_space<vmem_shared>>
      tpu.enqueue_dma source(%dma_start3A_51 : memref<624x16xf32, #tpu.memory_space<vmem_shared>>) target(%dma_start3A_49 : memref<624x16xf32, #tpu.memory_space<hbm>>) target_semaphore(%run_scoped3A : memref<!tpu.dma_semaphore, #tpu.memory_space<semaphore_mem>>)
      %dma_wait3A = arith.constant 0 : i32
      %dma_wait3A_52 = tpu.memref_slice %arg7[%arg0, %add3A_42, %dma_wait3A] : memref<2x10000x16xf32, #tpu.memory_space<hbm>> -> memref<1x624x16xf32, #tpu.memory_space<hbm>>
      %dma_wait3A_53 = tpu.memref_squeeze %dma_wait3A_52 : memref<1x624x16xf32, #tpu.memory_space<hbm>> -> memref<624x16xf32, #tpu.memory_space<hbm>>
      %dma_wait3A_54 = arith.constant 0 : i32
      %dma_wait3A_55 = tpu.memref_slice %arg17[%add3A_42, %dma_wait3A_54] : memref<10016x16xf32, #tpu.memory_space<vmem_shared>> -> memref<624x16xf32, #tpu.memory_space<vmem_shared>>
      tpu.wait_dma2 semaphore(%run_scoped3A : memref<!tpu.dma_semaphore, #tpu.memory_space<semaphore_mem>>) src(%dma_wait3A_55 : memref<624x16xf32, #tpu.memory_space<vmem_shared>>) dst(%dma_wait3A_53 : memref<624x16xf32, #tpu.memory_space<hbm>>)
      tpu.yield
    }) : () -> ()
    %eq3A_43 = arith.constant 0 : i32
    %eq3A_44 = arith.cmpi eq, %arg1, %eq3A_43 : i32
    %convert_element_type3A_45 = arith.extui %eq3A_44 : i1 to i32
    %cond3A_46 = arith.constant 0 : i32
    %cond3A_47 = arith.cmpi ne, %convert_element_type3A_45, %cond3A_46 : i32
    scf.if %cond3A_47 {
      "tpu.region"() ({
        %run_scoped3A = tpu.sem_alloc : memref<!tpu.dma_semaphore, #tpu.memory_space<semaphore_mem>>
        %dma_start3A = arith.constant 0 : i32
        %dma_start3A_48 = arith.constant 0 : i32
        %dma_start3A_49 = tpu.memref_slice %arg6[%arg0, %dma_start3A, %dma_start3A_48] : memref<2x10000x128xf32, #tpu.memory_space<hbm>> -> memref<1x16x128xf32, #tpu.memory_space<hbm>>
        %dma_start3A_50 = tpu.memref_squeeze %dma_start3A_49 : memref<1x16x128xf32, #tpu.memory_space<hbm>> -> memref<16x128xf32, #tpu.memory_space<hbm>>
        %dma_start3A_51 = arith.constant 0 : i32
        %dma_start3A_52 = arith.constant 0 : i32
        %dma_start3A_53 = tpu.memref_slice %arg16[%dma_start3A_51, %dma_start3A_52] : memref<10016x128xf32, #tpu.memory_space<vmem_shared>> -> memref<16x128xf32, #tpu.memory_space<vmem_shared>>
        tpu.enqueue_dma source(%dma_start3A_53 : memref<16x128xf32, #tpu.memory_space<vmem_shared>>) target(%dma_start3A_50 : memref<16x128xf32, #tpu.memory_space<hbm>>) target_semaphore(%run_scoped3A : memref<!tpu.dma_semaphore, #tpu.memory_space<semaphore_mem>>)
        %dma_wait3A = arith.constant 0 : i32
        %dma_wait3A_54 = arith.constant 0 : i32
        %dma_wait3A_55 = tpu.memref_slice %arg6[%arg0, %dma_wait3A, %dma_wait3A_54] : memref<2x10000x128xf32, #tpu.memory_space<hbm>> -> memref<1x16x128xf32, #tpu.memory_space<hbm>>
        %dma_wait3A_56 = tpu.memref_squeeze %dma_wait3A_55 : memref<1x16x128xf32, #tpu.memory_space<hbm>> -> memref<16x128xf32, #tpu.memory_space<hbm>>
        %dma_wait3A_57 = arith.constant 0 : i32
        %dma_wait3A_58 = arith.constant 0 : i32
        %dma_wait3A_59 = tpu.memref_slice %arg16[%dma_wait3A_57, %dma_wait3A_58] : memref<10016x128xf32, #tpu.memory_space<vmem_shared>> -> memref<16x128xf32, #tpu.memory_space<vmem_shared>>
        tpu.wait_dma2 semaphore(%run_scoped3A : memref<!tpu.dma_semaphore, #tpu.memory_space<semaphore_mem>>) src(%dma_wait3A_59 : memref<16x128xf32, #tpu.memory_space<vmem_shared>>) dst(%dma_wait3A_56 : memref<16x128xf32, #tpu.memory_space<hbm>>)
        tpu.yield
      }) : () -> ()
      "tpu.region"() ({
        %run_scoped3A = tpu.sem_alloc : memref<!tpu.dma_semaphore, #tpu.memory_space<semaphore_mem>>
        %dma_start3A = arith.constant 0 : i32
        %dma_start3A_48 = arith.constant 0 : i32
        %dma_start3A_49 = tpu.memref_slice %arg7[%arg0, %dma_start3A, %dma_start3A_48] : memref<2x10000x16xf32, #tpu.memory_space<hbm>> -> memref<1x16x16xf32, #tpu.memory_space<hbm>>
        %dma_start3A_50 = tpu.memref_squeeze %dma_start3A_49 : memref<1x16x16xf32, #tpu.memory_space<hbm>> -> memref<16x16xf32, #tpu.memory_space<hbm>>
        %dma_start3A_51 = arith.constant 0 : i32
        %dma_start3A_52 = arith.constant 0 : i32
        %dma_start3A_53 = tpu.memref_slice %arg17[%dma_start3A_51, %dma_start3A_52] : memref<10016x16xf32, #tpu.memory_space<vmem_shared>> -> memref<16x16xf32, #tpu.memory_space<vmem_shared>>
        tpu.enqueue_dma source(%dma_start3A_53 : memref<16x16xf32, #tpu.memory_space<vmem_shared>>) target(%dma_start3A_50 : memref<16x16xf32, #tpu.memory_space<hbm>>) target_semaphore(%run_scoped3A : memref<!tpu.dma_semaphore, #tpu.memory_space<semaphore_mem>>)
        %dma_wait3A = arith.constant 0 : i32
        %dma_wait3A_54 = arith.constant 0 : i32
        %dma_wait3A_55 = tpu.memref_slice %arg7[%arg0, %dma_wait3A, %dma_wait3A_54] : memref<2x10000x16xf32, #tpu.memory_space<hbm>> -> memref<1x16x16xf32, #tpu.memory_space<hbm>>
        %dma_wait3A_56 = tpu.memref_squeeze %dma_wait3A_55 : memref<1x16x16xf32, #tpu.memory_space<hbm>> -> memref<16x16xf32, #tpu.memory_space<hbm>>
        %dma_wait3A_57 = arith.constant 0 : i32
        %dma_wait3A_58 = arith.constant 0 : i32
        %dma_wait3A_59 = tpu.memref_slice %arg17[%dma_wait3A_57, %dma_wait3A_58] : memref<10016x16xf32, #tpu.memory_space<vmem_shared>> -> memref<16x16xf32, #tpu.memory_space<vmem_shared>>
        tpu.wait_dma2 semaphore(%run_scoped3A : memref<!tpu.dma_semaphore, #tpu.memory_space<semaphore_mem>>) src(%dma_wait3A_59 : memref<16x16xf32, #tpu.memory_space<vmem_shared>>) dst(%dma_wait3A_56 : memref<16x16xf32, #tpu.memory_space<hbm>>)
        tpu.yield
      }) : () -> ()
    } else {
    }
    return
  }
}

module attributes {stable_mosaic.version = 14 : i64} {
  func.func @_tc_prep_body(%arg0: i32, %arg1: memref<400x128xf32, #tpu.memory_space<vmem>>, %arg2: memref<128x128xf32, #tpu.memory_space<vmem>>, %arg3: memref<128x16xf32, #tpu.memory_space<vmem>>, %arg4: memref<400x128xf32, #tpu.memory_space<vmem>>, %arg5: memref<400x16xf32, #tpu.memory_space<vmem>>) attributes {dimension_semantics = [#tpu.dimension_semantics<arbitrary>], iteration_bounds = array<i64: 25>, scalar_prefetch = 0 : i64, scratch_operands = 0 : i64, tpu.core_type = #tpu.core_type<tc>, window_params = [{transform_indices = @transform_0, window_bounds = array<i64: 400, 128>}, {pipeline_mode = #tpu.pipeline_mode<synchronous>, transform_indices = @transform_1, window_bounds = array<i64: 128, 128>}, {pipeline_mode = #tpu.pipeline_mode<synchronous>, transform_indices = @transform_2, window_bounds = array<i64: 128, 16>}, {transform_indices = @transform_3, window_bounds = array<i64: 400, 128>}, {transform_indices = @transform_4, window_bounds = array<i64: 400, 16>}]} {
    %get3A = arith.constant 0 : index
    %get3A_0 = arith.constant 0 : index
    %get3A_1 = vector.load %arg1[%get3A, %get3A_0] : memref<400x128xf32, #tpu.memory_space<vmem>>, vector<400x128xf32>
    %get3A_2 = arith.constant 0 : index
    %get3A_3 = arith.constant 0 : index
    %get3A_4 = vector.load %arg2[%get3A_2, %get3A_3] : memref<128x128xf32, #tpu.memory_space<vmem>>, vector<128x128xf32>
    %dot_general3A = arith.constant dense<0.000000e+00> : vector<400x128xf32>
    %dot_general3A_5 = tpu.matmul %get3A_1, %get3A_4, %dot_general3A {dimension_numbers = #tpu.dot_dimension_numbers<[1], [0], [0], [1], [0, 0, 1, 1], [], []>, transpose_lhs_hint = false} : vector<400x128xf32>, vector<128x128xf32>, vector<400x128xf32> -> vector<400x128xf32>
    %swap3A = arith.constant 0 : index
    %swap3A_6 = arith.constant 0 : index
    %swap3A_7 = vector.load %arg4[%swap3A, %swap3A_6] : memref<400x128xf32, #tpu.memory_space<vmem>>, vector<400x128xf32>
    tpu.vector_store %arg4[%swap3A, %swap3A_6], %dot_general3A_5 {strides = array<i32>} : memref<400x128xf32, #tpu.memory_space<vmem>>, vector<400x128xf32>,
    %get3A_8 = arith.constant 0 : index
    %get3A_9 = arith.constant 0 : index
    %get3A_10 = vector.load %arg3[%get3A_8, %get3A_9] : memref<128x16xf32, #tpu.memory_space<vmem>>, vector<128x16xf32>
    %dot_general3A_11 = arith.constant dense<0.000000e+00> : vector<400x16xf32>
    %dot_general3A_12 = tpu.matmul %dot_general3A_5, %get3A_10, %dot_general3A_11 {dimension_numbers = #tpu.dot_dimension_numbers<[1], [0], [0], [1], [0, 0, 1, 1], [], []>, transpose_lhs_hint = false} : vector<400x128xf32>, vector<128x16xf32>, vector<400x16xf32> -> vector<400x16xf32>
    %swap3A_13 = arith.constant 0 : index
    %swap3A_14 = arith.constant 0 : index
    %swap3A_15 = vector.load %arg5[%swap3A_13, %swap3A_14] : memref<400x16xf32, #tpu.memory_space<vmem>>, vector<400x16xf32>
    tpu.vector_store %arg5[%swap3A_13, %swap3A_14], %dot_general3A_12 {strides = array<i32>} : memref<400x16xf32, #tpu.memory_space<vmem>>, vector<400x16xf32>,
    return
  }
  func.func @transform_0(%arg0: i32) -> (i32, i32) {
    %c0_i32 = arith.constant 0 : i32
    %c0_i32_0 = arith.constant 0 : i32
    return %arg0, %c0_i32 : i32, i32
  }
  func.func @transform_1(%arg0: i32) -> (i32, i32) {
    %c0_i32 = arith.constant 0 : i32
    %c0_i32_0 = arith.constant 0 : i32
    %c0_i32_1 = arith.constant 0 : i32
    return %c0_i32, %c0_i32_0 : i32, i32
  }
  func.func @transform_2(%arg0: i32) -> (i32, i32) {
    %c0_i32 = arith.constant 0 : i32
    %c0_i32_0 = arith.constant 0 : i32
    %c0_i32_1 = arith.constant 0 : i32
    return %c0_i32, %c0_i32_0 : i32, i32
  }
  func.func @transform_3(%arg0: i32) -> (i32, i32) {
    %c0_i32 = arith.constant 0 : i32
    %c0_i32_0 = arith.constant 0 : i32
    return %arg0, %c0_i32 : i32, i32
  }
  func.func @transform_4(%arg0: i32) -> (i32, i32) {
    %c0_i32 = arith.constant 0 : i32
    %c0_i32_0 = arith.constant 0 : i32
    return %arg0, %c0_i32 : i32, i32
  }
}

module attributes {stable_mosaic.version = 14 : i64} {
  func.func @_tc_fin_body(%arg0: i32, %arg1: memref<400x128xf32, #tpu.memory_space<vmem>>, %arg2: memref<400x128xf32, #tpu.memory_space<vmem>>, %arg3: memref<400x16xf32, #tpu.memory_space<vmem>>, %arg4: memref<400x16xf32, #tpu.memory_space<vmem>>, %arg5: memref<16x128xf32, #tpu.memory_space<vmem>>, %arg6: memref<400x128xf32, #tpu.memory_space<vmem>>) attributes {dimension_semantics = [#tpu.dimension_semantics<arbitrary>], iteration_bounds = array<i64: 25>, scalar_prefetch = 0 : i64, scratch_operands = 0 : i64, tpu.core_type = #tpu.core_type<tc>, window_params = [{transform_indices = @transform_0, window_bounds = array<i64: 400, 128>}, {transform_indices = @transform_1, window_bounds = array<i64: 400, 128>}, {transform_indices = @transform_2, window_bounds = array<i64: 400, 16>}, {transform_indices = @transform_3, window_bounds = array<i64: 400, 16>}, {pipeline_mode = #tpu.pipeline_mode<synchronous>, transform_indices = @transform_4, window_bounds = array<i64: 16, 128>}, {transform_indices = @transform_5, window_bounds = array<i64: 400, 128>}]} {
    %get3A = arith.constant 0 : index
    %get3A_0 = arith.constant 0 : index
    %get3A_1 = vector.load %arg1[%get3A, %get3A_0] : memref<400x128xf32, #tpu.memory_space<vmem>>, vector<400x128xf32>
    %get3A_2 = arith.constant 0 : index
    %get3A_3 = arith.constant 0 : index
    %get3A_4 = vector.load %arg2[%get3A_2, %get3A_3] : memref<400x128xf32, #tpu.memory_space<vmem>>, vector<400x128xf32>
    %add3A = arith.addf %get3A_1, %get3A_4 : vector<400x128xf32>
    %get3A_5 = arith.constant 0 : index
    %get3A_6 = arith.constant 0 : index
    %get3A_7 = vector.load %arg3[%get3A_5, %get3A_6] : memref<400x16xf32, #tpu.memory_space<vmem>>, vector<400x16xf32>
    %get3A_8 = arith.constant 0 : index
    %get3A_9 = arith.constant 0 : index
    %get3A_10 = vector.load %arg4[%get3A_8, %get3A_9] : memref<400x16xf32, #tpu.memory_space<vmem>>, vector<400x16xf32>
    %add3A_11 = arith.addf %get3A_7, %get3A_10 : vector<400x16xf32>
    %get3A_12 = arith.constant 0 : index
    %get3A_13 = arith.constant 0 : index
    %get3A_14 = vector.load %arg5[%get3A_12, %get3A_13] : memref<16x128xf32, #tpu.memory_space<vmem>>, vector<16x128xf32>
    %dot_general3A = arith.constant dense<0.000000e+00> : vector<400x128xf32>
    %dot_general3A_15 = tpu.matmul %add3A_11, %get3A_14, %dot_general3A {dimension_numbers = #tpu.dot_dimension_numbers<[1], [0], [0], [1], [0, 0, 1, 1], [], []>, transpose_lhs_hint = false} : vector<400x16xf32>, vector<16x128xf32>, vector<400x128xf32> -> vector<400x128xf32>
    %add3A_16 = arith.constant 1.000000e-16 : f32
    %add3A_17 = vector.broadcast %add3A_16 : f32 to vector<400x128xf32>
    %add3A_18 = arith.addf %dot_general3A_15, %add3A_17 : vector<400x128xf32>
    %div3A = arith.divf %add3A, %add3A_18 : vector<400x128xf32>
    %swap3A = arith.constant 0 : index
    %swap3A_19 = arith.constant 0 : index
    %swap3A_20 = vector.load %arg6[%swap3A, %swap3A_19] : memref<400x128xf32, #tpu.memory_space<vmem>>, vector<400x128xf32>
    tpu.vector_store %arg6[%swap3A, %swap3A_19], %div3A {strides = array<i32>} : memref<400x128xf32, #tpu.memory_space<vmem>>, vector<400x128xf32>,
    return
  }
  func.func @transform_0(%arg0: i32) -> (i32, i32) {
    %c0_i32 = arith.constant 0 : i32
    %c0_i32_0 = arith.constant 0 : i32
    return %arg0, %c0_i32 : i32, i32
  }
  func.func @transform_1(%arg0: i32) -> (i32, i32) {
    %c0_i32 = arith.constant 0 : i32
    %c0_i32_0 = arith.constant 0 : i32
    return %arg0, %c0_i32 : i32, i32
  }
  func.func @transform_2(%arg0: i32) -> (i32, i32) {
    %c0_i32 = arith.constant 0 : i32
    %c0_i32_0 = arith.constant 0 : i32
    return %arg0, %c0_i32 : i32, i32
  }
  func.func @transform_3(%arg0: i32) -> (i32, i32) {
    %c0_i32 = arith.constant 0 : i32
    %c0_i32_0 = arith.constant 0 : i32
    return %arg0, %c0_i32 : i32, i32
  }
  func.func @transform_4(%arg0: i32) -> (i32, i32) {
    %c0_i32 = arith.constant 0 : i32
    %c0_i32_0 = arith.constant 0 : i32
    %c0_i32_1 = arith.constant 0 : i32
    return %c0_i32, %c0_i32_0 : i32, i32
  }
  func.func @transform_5(%arg0: i32) -> (i32, i32) {
    %c0_i32 = arith.constant 0 : i32
    %c0_i32_0 = arith.constant 0 : i32
    return %arg0, %c0_i32 : i32, i32
  }
}

</mosaic_0001>

<sc_bundles>
// kernel: kernel.5.cloned.1.call-start
scs
__scs_entry_jumppad:
0x0: {  	(pc) =	sbr.rel $0x88, $3  }
0x1: {  	(tag) =	ssettag $0x0;
	lr =	simm.s32 $0x1  }
0x2: {  	[smem:$0x3F9C] =	sst lr;
	_ =	strace $0xD0000000  }
0x3: {  	_ = 	snop  }
0x4: {  	_ = 	snop  }
0x5: {  	_ = 	snop  }
0x6: {  	_ = 	snop  }
0x7: {  	_ = 	snop  }
__scs_overlays_trampoline_lowered:
0x8: {  	[smem:$0x3FAB] =	sst s0  }
0x9: {  	[smem:$0x3FAC] =	sst s1  }
0xa: {  	[smem:$0x3FAD] =	sst s2  }
0xb: {  	[smem:$0x3FAE] =	sst s3  }
0xc: {  	[smem:$0x3FAF] =	sst s4  }
0xd: {  	[smem:$0x3FB0] =	sst s5  }
0xe: {  	[smem:$0x3FB1] =	sst s6  }
0xf: {  	[smem:$0x3FB2] =	sst s7  }
0x10: {  	[smem:$0x3FB3] =	sst s8  }
0x11: {  	[smem:$0x3FB4] =	sst s9;
	s0 =	simm.s32 @!p0 $0x0  }
0x12: {  	s1 =	sld [smem:$0x3F9A];
	s0 =	simm.s32 @p0 $0x1  }
0x13: {  	[smem:$0x3FB5] =	sst s0;
	s0 =	simm.s32 @!p1 $0x0  }
0x14: {  	s2 =	sld [smem:$0x3F99];
	s0 =	simm.s32 @p1 $0x1  }
0x15: {  	[smem:$0x3FB6] =	sst s0;
	s0 =	simm.s32 @!p2 $0x0  }
0x16: {  	s3 =	sld [smem:$0x3FDB];
	s0 =	simm.s32 @p2 $0x1  }
0x17: {  	s4 =	simm.s32 $0x1BF5;
	[smem:$0x3FB8] =	sst s0  }
0x18: {  	s0 =	sld [smem:$0x3F9B];
	_ =	swait.ge [sflag:s4], $0x0  }
0x19: {  	s7 =	sld [smem:$0x3F9C]  }
0x1a: {  	s8 =	sadd.s32 $0xFFFFE003, lr  }
0x1b: {  	s9 =	sadd.s32 $0xFFFFFEF7, lr;
	s5 =	simm.s32 $0xFFFFFFFF;
	p2 =	slt.u32 s8, $0xFFFFF086  }
0x1c: {  	p1 =	slt.u32 s9, $0xF7A;
	s5 =	simm.s32 @!p2 $0x0  }
0x1d: {  	s5 =	simm.s32 @p1 $0x1;
	p0 =	seq.s32 s7, s2  }
0x1e: {  	s7 =	smul.u32 @!p0 $0xF7A, s2;
	p2 =	seq.s32 @!p0 s5, $0x0  }
0x1f: {  	s9 =	smul.u32 $0xF7A, s1;
	s8 =	simm.s32 @!p0 $0x1BF5;
	p2 =	por !p2, p0  }
0x20: {  	[sflag:s8] =	ssyncset.s32 @!p0 $0xFFFFF086;
	s6 =	sadd.s32 @!p0 s3, s7;
	s7 =	simm.s32 @!p0 $0x108  }
0x21: {  	s3 =	sadd.s32 s3, s9;
	s6 =	sadd.s32 @!p0 $0x88, s6;
	s7 =	simm.s32 @p2 $0x1082  }
0x22: {  	[simem:s7], [sflag:s8] =	dma.local @!p0 [hbm:s6], $0xF7A  }
0x23: {  	s9 =	sor.u32 $0xD0000000, s2;
	s6 =	simm.s32 $0x108;
	_ =	swait.ge @!p0 [sflag:s8], $0x0  }
0x24: {  	s3 =	sadd.s32 $0x88, s3;
	s6 =	simm.s32 @!p1 $0x1082;
	[sflag:s4] =	ssyncset.s32 $0xFFFFF086  }
0x25: {  	[simem:s6], [sflag:s4] =	dma.local [hbm:s3], $0xF7A  }
0x26: {  	[smem:$0x3F9C] =	sst s1;
	(tag) =	ssettag s2;
	_ =	strace s9  }
0x27: {  	s1 =	sld [smem:$0x3FAC]  }
0x28: {  	s2 =	sld [smem:$0x3FAD]  }
0x29: {  	s4 =	sld [smem:$0x3FAF]  }
0x2a: {  	p0 =	seq.s32 s5, $0x0;
	s5 =	sld [smem:$0x3FB0]  }
0x2b: {  	s6 =	sld [smem:$0x3FB1]  }
0x2c: {  	s7 =	sld [smem:$0x3FB2]  }
0x2d: {  	s3 =	simm.s32 $0x108;
	s8 =	sld [smem:$0x3FB3]  }
0x2e: {  	s3 =	simm.s32 @!p0 $0x1082;
	s9 =	sld [smem:$0x3FB4]  }
0x2f: {  	lr =	sadd.s32 s0, s3;
	s0 =	sld [smem:$0x3FAB]  }
0x30: {  	s3 =	sld [smem:$0x3FAE]  }
0x31: {  	[smem:$0x3FB7] =	sst s10  }
0x32: {  	s10 =	sld [smem:$0x3FB5];
	_ =	sdelay $0x3  }
0x33: {  	p0 =	seq.s32 s10, $0x1;
	s10 =	sld [smem:$0x3FB7];
	_ =	sdelay $0x3  }
0x34: {  	[smem:$0x3FB7] =	sst s10  }
0x35: {  	s10 =	sld [smem:$0x3FB6];
	_ =	sdelay $0x3  }
0x36: {  	p1 =	seq.s32 s10, $0x1;
	s10 =	sld [smem:$0x3FB7];
	_ =	sdelay $0x3  }
0x37: {  	[smem:$0x3FB7] =	sst s10  }
0x38: {  	s10 =	sld [smem:$0x3FB8]  }
0x39: {  	_ = 	snop;
	(pc) =	sbr.ind lr, $3  }
0x3a: {  	_ = 	snop  }
0x3b: {  	_ = 	snop  }
0x3c: {  	p2 =	seq.s32 s10, $0x1;
	s10 =	sld [smem:$0x3FB7]  }
0x3d: {  	_ =	shalt  }
0x3e: {  	_ =	shalt  }
0x3f: {  	_ =	shalt  }
0x40: {  	_ =	shalt  }
0x41: {  	_ =	shalt  }
0x42: {  	_ =	shalt  }
0x43: {  	_ =	shalt  }
0x44: {  	_ =	shalt  }
0x45: {  	_ =	shalt  }
0x46: {  	_ =	shalt  }
0x47: {  	_ =	shalt  }
0x48: {  	_ =	shalt  }
0x49: {  	_ =	shalt  }
0x4a: {  	_ =	shalt  }
0x4b: {  	_ =	shalt  }
0x4c: {  	_ =	shalt  }
0x4d: {  	_ =	shalt  }
0x4e: {  	_ =	shalt  }
0x4f: {  	_ =	shalt  }
0x50: {  	_ =	shalt  }
0x51: {  	_ =	shalt  }
0x52: {  	_ =	shalt  }
0x53: {  	_ =	shalt  }
0x54: {  	_ =	shalt  }
0x55: {  	_ =	shalt  }
0x56: {  	_ =	shalt  }
0x57: {  	_ =	shalt  }
0x58: {  	_ =	shalt  }
0x59: {  	_ =	shalt  }
0x5a: {  	_ =	shalt  }
0x5b: {  	_ =	shalt  }
0x5c: {  	_ =	shalt  }
0x5d: {  	_ =	shalt  }
0x5e: {  	_ =	shalt  }
0x5f: {  	_ =	shalt  }
0x60: {  	_ =	shalt  }
0x61: {  	_ =	shalt  }
0x62: {  	_ =	shalt  }
0x63: {  	_ =	shalt  }
0x64: {  	_ =	shalt  }
0x65: {  	_ =	shalt  }
0x66: {  	_ =	shalt  }
0x67: {  	_ =	shalt  }
0x68: {  	_ =	shalt  }
0x69: {  	_ =	shalt  }
0x6a: {  	_ =	shalt  }
0x6b: {  	_ =	shalt  }
0x6c: {  	_ =	shalt  }
0x6d: {  	_ =	shalt  }
0x6e: {  	_ =	shalt  }
0x6f: {  	_ =	shalt  }
0x70: {  	_ =	shalt  }
0x71: {  	_ =	shalt  }
0x72: {  	_ =	shalt  }
0x73: {  	_ =	shalt  }
0x74: {  	_ =	shalt  }
0x75: {  	_ =	shalt  }
0x76: {  	_ =	shalt  }
0x77: {  	_ =	shalt  }
0x78: {  	_ =	shalt  }
0x79: {  	_ =	shalt  }
0x7a: {  	_ =	shalt  }
0x7b: {  	_ =	shalt  }
0x7c: {  	_ =	shalt  }
0x7d: {  	_ =	shalt  }
0x7e: {  	_ =	shalt  }
0x7f: {  	_ =	shalt  }
0x80: {  	_ =	shalt  }
0x81: {  	_ =	shalt  }
0x82: {  	_ =	shalt  }
0x83: {  	_ =	shalt  }
0x84: {  	_ =	shalt  }
0x85: {  	_ =	shalt  }
0x86: {  	_ =	shalt  }
0x87: {  	_ =	shalt  }
.Lfunc_end0:
.L_simem_size_0:
called_computation_lowered:
.L_overlay_start_0:
0x88: {  	s2 =	sld [smem:$0x3FD9]  }
0x89: {  	s3 =	sld [smem:$0x3FFE];
	_ =	sdelay $0x1  }
0x8a: {  	s1 =	srdreg.scid  }
0x8b: {  	s0 =	sand.u32 $0x1, s1  }
0x8c: {  	s17 =	sshll.u32 s0, $0xA;
	s2 =	sadd.s32 s3, s2  }
0x8d: {  	s2 =	sadd.s32 s2, s17  }
0x8e: {  	[smem:$0x3FC3] =	sst s2  }
0x8f: {  	_ = 	snop  }
0x90: {  	s2 =	sld [smem:$0x3FD0];
	(tm) =	ssettm $0x1  }
0x91: {  	s18 =	sld [smem:$0x3FFB];
	_ =	sdelay $0x3  }
0x92: {  	_ =	strace s18  }
0x93: {  	s3 =	sld [smem:$0x3FFC];
	_ =	sdelay $0x3  }
0x94: {  	_ =	strace s3  }
0x95: {  	s3 =	sld [smem:$0x3FFD];
	_ =	sdelay $0x3  }
0x96: {  	_ =	strace s3  }
0x97: {  	_ =	strace $0x8FFFFFFF  }
0x98: {  	s19 =	sld [smem:$0x3FDB];
	_ =	sdelay $0x1  }
0x99: {  	s4 =	simm.s32 $_scs_section_size  }
0x9a: {  	s5 =	simm.s32 $_size__tile_overlayer_lowered;
	s6 =	simm.s32 $_tile_overlayer_lowered  }
0x9b: {  	s22 =	simm.s32 $0x1BFF;
	s21 =	sshll.u32 s6, $0x1;
	s3 =	sadd.s32 s4, s19  }
0x9c: {  	s7 =	simm.s32 $0x0;
	s20 =	sshll.u32 s5, $0x1;
	s5 =	sadd.s32 s21, s3  }
0x9d: {  	[timem:s7], [sflag:s22] =	dma.local [hbm:s5], s20  }
0x9e: {  	_ =	swait.ge [sflag:s22], s20  }
0x9f: {  	s4 =	ssub.s32 $0x0, s20;
	[sflag:s22] =	ssyncset.done $0x0  }
0xa0: {  	[sflag:s22] =	ssyncadd.s32 s4;
	_ =	sdelay $0x1  }
0xa1: {  	s23 =	simm.s32 $0x1B8B  }
0xa2: {  	_ =	swait.ge [sflag:s23], $0x1  }
0xa3: {  	[sflag:s23] =	ssyncset.done $0x0  }
0xa4: {  	s25 =	simm.s32 $0x1B8E;
	s24 =	sld [smem:$0x3FFE];
	[sflag:s23] =	ssyncadd.s32 $0xFFFFFFFF  }
0xa5: {  	s26 =	simm.s32 $execute0_lowered;
	[smem:$0x3FD2] =	sst s25  }
0xa6: {  	s5 =	sshll.u32 s26, $0x1;
	_ =	strace $0x80000046;
	[dreg:$0x1] =	wrdreg $0xFFFFFFFF  }
0xa7: {  	s28 =	simm.s32 $_size_execute0_lowered;
	s3 =	sadd.s32 s3, s5;
	[dreg:$0x0] =	wrdreg $0x0  }
0xa8: {  	s5 =	sshll.u32 s28, $0x1;
	[dreg:$0x2] =	wrdreg s3  }
0xa9: {  	[dreg:$0x3] =	wrdreg s5  }
0xaa: {  	[dreg:$0x4] =	wrdreg $0xC0  }
0xab: {  	_ =	task [dreg:s7], $0x5FFFF  }
0xac: {  	[dreg:$0x1] =	wrdreg $0xFFFFFFFF  }
0xad: {  	[dreg:$0x0] =	wrdreg $0x60  }
0xae: {  	[dreg:$0x2] =	wrdreg s2  }
0xaf: {  	[dreg:$0x3] =	wrdreg s24  }
0xb0: {  	[dreg:$0x4] =	wrdreg $0x31800  }
0xb1: {  	[dreg:$0x5] =	wrdreg $0x16A800  }
0xb2: {  	[dreg:$0x6] =	wrdreg $0x9  }
0xb3: {  	_ =	task.clear_ibuf [dreg:s7], $0x7FFFF;
	_ =	strace $0x90000046  }
0xb4: {  	s29 =	simm.s32 $0x9;
	_ =	strace $0x80000048  }
0xb5: {  	_ =	swait.ge [sflag:s29], $0x1  }
0xb6: {  	[sflag:s29] =	ssyncadd.s32 $0xFFFFFFFF  }
0xb7: {  	_ =	strace $0x90000048  }
0xb8: {  	_ =	sfence  }
0xb9: {  	s30 =	sld [smem:$0x0];
	_ =	sdelay $0x2  }
0xba: {  	s31 =	sshll.u32 s1, $0xD;
	s1 =	sshrl.u32 s1, $0x2  }
0xbb: {  	s3 =	sand.u32 $0x4000, s31;
	s1 =	sadd.s32 s1, s30  }
0xbc: {  	s0 =	sor.u32 s3, s0;
	s1 =	sshll.u32 s1, $0x11  }
0xbd: {  	s0 =	sor.u32 s1, s0  }
0xbe: {  	s0 =	sadd.s32 $0x8F2B, s0  }
0xbf: {  	[sflag:s0] =	ssyncadd.remote.s32 $0x1  }
0xc0: {  	_ =	sfence.sel $0xFFFF  }
0xc1: {  	[dreg:$0x0] =	wrdreg $0xFFFFFFFF;
	(pc) =	sbr.abs _section_cstart, $3  }
0xc2: {  	[dreg:$0x1] =	wrdreg $0xFFFFFFFF  }
0xc3: {  	_ =	task.clear_ibuf [dreg:s7], $0x2FFFF;
	_ =	strace $0x9FFFFFFF  }
0xc4: {  	(tm) =	ssettm $0x7FFFFFFF  }
0xc5: {  	_ =	shalt  }
tec
execute0_lowered:
.L_overlay_start_1:
0x0: {  	(tag) =	ssettag $0x1  }
0x1: {  	s1 =	rddreg [dreg:$0x0]  }
0x2: {  	s0 =	rddreg [dreg:$0x1]  }
0x3: {  	s2 =	rddreg [dreg:$0x2]  }
0x4: {  	s3 =	rddreg [dreg:$0x3];
	s4 =	simm.s32 $0x0  }
0x5: {  	s7 =	srdreg.scid;
	s24 =	stileid.u32;
	s28 =	simm.s32 $0x2480  }
0x6: {  	s29 =	simm.s32 $0x2880;
	s30 =	simm.s32 $0x2;
	s31 =	simm.s32 $0x3  }
0x7: {  	[smem:$0x7FF] =	sst s4;
	s5 =	sadd.s32 $0x1200, s0;
	s6 =	sadd.s32 $0x10000, s0  }
0x8: {  	s8 =	sand.u32 $0x1, s7;
	s7 =	sadd.s32 $0x6200, s0;
	s11 =	smul.u32 $0x4E000, s24  }
0x9: {  	s12 =	sadd.s32 $0x19E00, s0;
	s0 =	sadd.s32 $0x68000, s0;
	s19 =	smul.u32 $0x9C00, s24  }
0xa: {  	s14 =	smul.u32 $0x270, s24;
	p0 =	seq.s32 s24, $0x0;
	p1 =	sgt.u32 s24, $0x1  }
0xb: {  	_ =	strace $0x80000047;
	s9 =	ssub.s32 $0x2, s8;
	s16 =	smul.u32 $0x138800, s8  }
0xc: {  	s20 =	sshll.u32 s8, $0x4;
	s8 =	smul.u32 $0x27100, s8;
	s10 =	sshrl.u32 s9, $0x1  }
0xd: {  	s11 =	sshrl.u32 s11, $0x2;
	s15 =	sor.u32 s24, s20;
	s21 =	sadd.s32 $0x10, s14  }
0xe: {  	s20 =	simm.s32 $0x2C80;
	s13 =	ssub.s32 s9, s10;
	s9 =	sadd.s32 s11, s2  }
0xf: {  	v0 =	vlaneseq.u32;
	s10 =	sshrl.u32 s19, $0x2;
	s14 =	sshll.u32 s21, $0x7;
	s17 =	sshll.u32 s21, $0x4  }
0x10: {  	v0 =	vmul.u32 $0x10, v0;
	s11 =	smul.u32 $0x2740, s15;
	s21 =	simm.s32 $0x4;
	s10 =	sadd.s32 s10, s3  }
0x11: {  	s18 =	sadd.s32 s16, s14;
	s19 =	sadd.s32 s8, s17;
	s14 =	sadd.s32 s14, s2  }
0x12: {  	v1 =	vimm.f32 $0.0e+00;
	v2 =	vor.u32 $0x4, v0;
	s26 =	sadd.s32 s17, s3;
	s13 =	smax.u32 s13, $0x1;
	s22 =	sshrl.u32 s18, $0x3  }
0x13: {  	v3 =	vor.u32 $0x1, v0;
	v4 =	vor.u32 $0x5, v0;
	v5 =	vor.u32 $0x2, v0;
	s23 =	sshrl.u32 s19, $0x3;
	[dreg:$0x9] =	wrdreg s13;
	s15 =	sadd.s32 s12, s22  }
0x14: {  	v6 =	vor.u32 $0x6, v0;
	v7 =	vor.u32 $0x3, v0;
	v8 =	vor.u32 $0x7, v0;
	s16 =	sshrl.u32 s16, $0x3;
	s25 =	sadd.s32 s0, s23;
	[dreg:$0x5] =	wrdreg s15  }
0x15: {  	v9 =	vor.u32 $0x100, v0;
	v10 =	vor.u32 $0x104, v0;
	v11 =	vor.u32 $0x101, v0;
	s8 =	sshrl.u32 s8, $0x3;
	s12 =	sadd.s32 s12, s16;
	[dreg:$0x6] =	wrdreg s25  }
0x16: {  	v12 =	vor.u32 $0x105, v0;
	v13 =	vor.u32 $0x102, v0;
	v14 =	vor.u32 $0x106, v0;
	s0 =	sadd.s32 s0, s8;
	s8 =	simm.s32 $0x400;
	[dreg:$0x7] =	wrdreg s12  }
0x17: {  	v15 =	vor.u32 $0x103, v0;
	v16 =	vor.u32 $0x107, v0;
	v17 =	vor.u32 $0x200, v0;
	s22 =	simm.s32 $0x3080;
	s23 =	simm.s32 $0x40;
	[dreg:$0x8] =	wrdreg s0  }
0x18: {  	v18 =	vor.u32 $0x204, v0;
	v19 =	vor.u32 $0x201, v0;
	v20 =	vor.u32 $0x205, v0;
	s0 =	simm.s32 $0x0;
	s12 =	simm.s32 $0x0;
	s8 =	simm.s32 @!p0 $0x138C00  }
0x19: {  	v21 =	vor.u32 $0x202, v0;
	v22 =	vor.u32 $0x206, v0;
	v23 =	vor.u32 $0x203, v0;
	s25 =	sshrl.u32 s26, $0x3;
	s26 =	simm.s32 $0x80;
	s0 =	simm.s32 @!p0 $0x27100  }
0x1a: {  	v24 =	vor.u32 $0x207, v0;
	v25 =	vor.u32 $0x300, v0;
	v26 =	vor.u32 $0x304, v0;
	s12 =	simm.s32 @!p0 $0x138800;
	s18 =	sadd.s32 s8, s2;
	p0 =	sne.s32 s24, $0x0  }
0x1b: {  	v27 =	vor.u32 $0x301, v0;
	v28 =	vor.u32 $0x305, v0;
	v29 =	vor.u32 $0x302, v0;
	s24 =	sshrl.u32 s14, $0x3;
	s8 =	simm.s32 $0x1;
	s0 =	sadd.s32 s0, s3  }
0x1c: {  	v30 =	vor.u32 $0x306, v0;
	v31 =	vor.u32 $0x303, v0;
	v32 =	vor.u32 $0x307, v0;
	s19 =	sadd.s32 s12, s2;
	[dreg:$0xa] =	wrdreg s0;
	s0 =	simm.s32 $0x2080  }
.LBB2_1:
0x1d: {  	[tilespmem:$0x2C80] =	vst v1  }
0x1e: {  	[tilespmem:$0x2C90] =	vst v1  }
0x1f: {  	[tilespmem:$0x2CA0] =	vst v1  }
0x20: {  	[tilespmem:$0x2CB0] =	vst v1  }
0x21: {  	[tilespmem:$0x2CC0] =	vst v1  }
0x22: {  	[tilespmem:$0x2CD0] =	vst v1  }
0x23: {  	[tilespmem:$0x2CE0] =	vst v1  }
0x24: {  	[tilespmem:$0x2CF0] =	vst v1  }
0x25: {  	[tilespmem:$0x2D00] =	vst v1  }
0x26: {  	[tilespmem:$0x2D10] =	vst v1  }
0x27: {  	[tilespmem:$0x2D20] =	vst v1  }
0x28: {  	[tilespmem:$0x2D30] =	vst v1  }
0x29: {  	[tilespmem:$0x2D40] =	vst v1  }
0x2a: {  	[tilespmem:$0x2D50] =	vst v1  }
0x2b: {  	[tilespmem:$0x2D60] =	vst v1  }
0x2c: {  	[tilespmem:$0x2D70] =	vst v1  }
0x2d: {  	[tilespmem:$0x2D80] =	vst v1  }
0x2e: {  	[tilespmem:$0x2D90] =	vst v1  }
0x2f: {  	[tilespmem:$0x2DA0] =	vst v1  }
0x30: {  	[tilespmem:$0x2DB0] =	vst v1  }
0x31: {  	[tilespmem:$0x2DC0] =	vst v1  }
0x32: {  	[tilespmem:$0x2DD0] =	vst v1  }
0x33: {  	[tilespmem:$0x2DE0] =	vst v1  }
0x34: {  	[tilespmem:$0x2DF0] =	vst v1  }
0x35: {  	[tilespmem:$0x2E00] =	vst v1  }
0x36: {  	[tilespmem:$0x2E10] =	vst v1  }
0x37: {  	[tilespmem:$0x2E20] =	vst v1  }
0x38: {  	[tilespmem:$0x2E30] =	vst v1  }
0x39: {  	[tilespmem:$0x2E40] =	vst v1  }
0x3a: {  	[tilespmem:$0x2E50] =	vst v1  }
0x3b: {  	[tilespmem:$0x2E60] =	vst v1  }
0x3c: {  	[tilespmem:$0x2E70] =	vst v1  }
0x3d: {  	[tilespmem:$0x2E80] =	vst v1  }
0x3e: {  	[tilespmem:$0x2E90] =	vst v1  }
0x3f: {  	[tilespmem:$0x2EA0] =	vst v1  }
0x40: {  	[tilespmem:$0x2EB0] =	vst v1  }
0x41: {  	[tilespmem:$0x2EC0] =	vst v1  }
0x42: {  	[tilespmem:$0x2ED0] =	vst v1  }
0x43: {  	[tilespmem:$0x2EE0] =	vst v1  }
0x44: {  	[tilespmem:$0x2EF0] =	vst v1  }
0x45: {  	[tilespmem:$0x2F00] =	vst v1  }
0x46: {  	[tilespmem:$0x2F10] =	vst v1  }
0x47: {  	[tilespmem:$0x2F20] =	vst v1  }
0x48: {  	[tilespmem:$0x2F30] =	vst v1  }
0x49: {  	[tilespmem:$0x2F40] =	vst v1  }
0x4a: {  	[tilespmem:$0x2F50] =	vst v1  }
0x4b: {  	[tilespmem:$0x2F60] =	vst v1  }
0x4c: {  	[tilespmem:$0x2F70] =	vst v1  }
0x4d: {  	[tilespmem:$0x2F80] =	vst v1  }
0x4e: {  	[tilespmem:$0x2F90] =	vst v1  }
0x4f: {  	[tilespmem:$0x2FA0] =	vst v1  }
0x50: {  	[tilespmem:$0x2FB0] =	vst v1  }
0x51: {  	[tilespmem:$0x2FC0] =	vst v1  }
0x52: {  	[tilespmem:$0x2FD0] =	vst v1  }
0x53: {  	[tilespmem:$0x2FE0] =	vst v1  }
0x54: {  	[tilespmem:$0x2FF0] =	vst v1  }
0x55: {  	[tilespmem:$0x3000] =	vst v1  }
0x56: {  	[tilespmem:$0x3010] =	vst v1  }
0x57: {  	[tilespmem:$0x3020] =	vst v1  }
0x58: {  	[tilespmem:$0x3030] =	vst v1  }
0x59: {  	[tilespmem:$0x3040] =	vst v1  }
0x5a: {  	[tilespmem:$0x3050] =	vst v1  }
0x5b: {  	[tilespmem:$0x3060] =	vst v1  }
0x5c: {  	[tilespmem:$0x3070] =	vst v1  }
0x5d: {  	[tilespmem:$0x3080] =	vst v1  }
0x5e: {  	[tilespmem:$0x3090] =	vst v1  }
0x5f: {  	[tilespmem:$0x30A0] =	vst v1  }
0x60: {  	[tilespmem:$0x30B0] =	vst v1  }
0x61: {  	[tilespmem:$0x30C0] =	vst v1  }
0x62: {  	[tilespmem:$0x30D0] =	vst v1  }
0x63: {  	[tilespmem:$0x30E0] =	vst v1  }
0x64: {  	[tilespmem:$0x30F0] =	vst v1  }
0x65: {  	[tilespmem:$0x3100] =	vst v1  }
0x66: {  	[tilespmem:$0x3110] =	vst v1  }
0x67: {  	[tilespmem:$0x3120] =	vst v1  }
0x68: {  	[tilespmem:$0x3130] =	vst v1  }
0x69: {  	[tilespmem:$0x3140] =	vst v1  }
0x6a: {  	[tilespmem:$0x3150] =	vst v1  }
0x6b: {  	[tilespmem:$0x3160] =	vst v1  }
0x6c: {  	[tilespmem:$0x3170] =	vst v1;
	s12 =	sadd.s32 $0x800, s9  }
0x6d: {  	[spmem:s12] =	stream.linear.scatter [tilespmem:s20], [sflag:$0x4], $0x400, $0x38;
	[tilespmem:$0x191A0] =	vst v63  }
0x6e: {  	s12 =	simm.s32 $0x3000;
	_ =	swait.ge [sflag:s21], $0x400  }
.LBB2_2:
0x6f: {  	s13 =	sshra.s32 s12, $0x2;
	[sflag:s21] =	ssyncset.done $0x0;
	p2 =	sne.s32 s12, $0x4F000  }
.Ltmp0:
0x70: {  	s13 =	sadd.s32 s13, s9;
	[sflag:s21] =	ssyncadd.s32 $0xFFFFFC00;
	(pc) =	sbr.rel @p2 .LBB2_2-.Ltmp0, $3  }
0x71: {  	[spmem:s13] =	stream.linear.scatter [tilespmem:s20], [sflag:$0x4], $0x400, $0x38;
	[tilespmem:$0x191A0] =	vst v63  }
0x72: {  	s12 =	sadd.s32 $0x1000, s12;
	_ =	sdelay $0x1  }
0x73: {  	_ =	swait.ge [sflag:s21], $0x400  }
0x74: {  	[sflag:s21] =	ssyncset.done $0x0  }
0x75: {  	s12 =	sadd.s32 $0x100, s10;
	[sflag:s21] =	ssyncadd.s32 $0xFFFFFC00  }
0x76: {  	[spmem:s12] =	stream.linear.scatter [tilespmem:s22], [sflag:$0x4], $0x100, $0x38;
	[tilespmem:$0x191A0] =	vst v63  }
0x77: {  	s12 =	simm.s32 $0x800;
	_ =	swait.ge [sflag:s21], $0x100  }
.LBB2_4:
0x78: {  	s13 =	sshra.s32 s12, $0x2;
	[sflag:s21] =	ssyncset.done $0x0;
	p2 =	sne.s32 s12, $0x9C00  }
.Ltmp1:
0x79: {  	s13 =	sadd.s32 s13, s10;
	[sflag:s21] =	ssyncadd.s32 $0xFFFFFF00;
	(pc) =	sbr.rel @p2 .LBB2_4-.Ltmp1, $3  }
0x7a: {  	[spmem:s13] =	stream.linear.scatter [tilespmem:s22], [sflag:$0x4], $0x100, $0x38;
	[tilespmem:$0x191A0] =	vst v63  }
0x7b: {  	s12 =	sadd.s32 $0x400, s12;
	_ =	sdelay $0x1  }
0x7c: {  	_ =	swait.ge [sflag:s21], $0x100  }
0x7d: {  	[sflag:s21] =	ssyncset.done $0x0  }
0x7e: {  	s12 =	simm.s32 @!p1 $0x2C80;
	s13 =	simm.s32 @!p1 $0x4;
	[sflag:s21] =	ssyncadd.s32 $0xFFFFFF00  }
0x7f: {  	[spmem:s19] =	stream.linear.scatter @!p1 [tilespmem:s12], [sflag:$0x4], $0x400, $0x38;
	[tilespmem:$0x191A0] =	vst v63  }
0x80: {  	_ =	swait.ge @!p1 [sflag:s13], $0x400  }
0x81: {  	[sflag:s13] =	ssyncset.done @!p1 $0x0  }
0x82: {  	[sflag:s13] =	ssyncadd.s32 @!p1 $0xFFFFFC00  }
0x83: {  	[spmem:s18] =	stream.linear.scatter @!p1 [tilespmem:s12], [sflag:$0x4], $0x400, $0x38;
	[tilespmem:$0x191A0] =	vst v63  }
0x84: {  	_ =	swait.ge @!p1 [sflag:s13], $0x400  }
0x85: {  	[sflag:s13] =	ssyncset.done @!p1 $0x0  }
0x86: {  	s12 =	simm.s32 @!p1 $0x3080;
	s14 =	rddreg [dreg:$0xa];
	[sflag:s13] =	ssyncadd.s32 @!p1 $0xFFFFFC00  }
0x87: {  	[spmem:s14] =	stream.linear.scatter @!p1 [tilespmem:s12], [sflag:$0x4], $0x100, $0x38;
	[tilespmem:$0x191A0] =	vst v63  }
0x88: {  	_ =	swait.ge @!p1 [sflag:s13], $0x100  }
0x89: {  	[sflag:s13] =	ssyncset.done @!p1 $0x0  }
0x8a: {  	[sflag:s13] =	ssyncadd.s32 @!p1 $0xFFFFFF00  }
0x8b: {  	s12 =	simm.s32 $0x0;
	s13 =	simm.s32 $0x0;
	[bflag:$0x0] =	sbarrier.arrive $0xFFFF  }
.LBB2_6:
0x8c: {  	s14 =	sshll.u32 s13, $0x6  }
0x8d: {  	s14 =	sadd.s32 s11, s14  }
0x8e: {  	s14 =	sshrl.u32 s14, $0x3  }
0x8f: {  	s15 =	sadd.s32 s6, s14  }
0x90: {  	[tilespmem:s12], [sflag:$0x4] =	stream.linear.gather [hbm4b:s15+s12], $0x40, $0x38;
	[tilespmem:$0x191A0] =	vst v63  }
0x91: {  	_ =	swait.ge [sflag:s21], $0x40  }
0x92: {  	[sflag:s21] =	ssyncset.done $0x0  }
0x93: {  	s14 =	sadd.s32 s7, s14;
	[sflag:s21] =	ssyncadd.s32 $0xFFFFFFC0  }
0x94: {  	[tilespmem:s23], [sflag:$0x4] =	stream.linear.gather [hbm4b:s14+s12], $0x40, $0x38;
	[tilespmem:$0x191A0] =	vst v63  }
0x95: {  	_ =	swait.ge [sflag:s21], $0x40  }
0x96: {  	[sflag:s21] =	ssyncset.done $0x0  }
0x97: {  	[sflag:s21] =	ssyncadd.s32 $0xFFFFFFC0  }
0x98: {  	[tilespmem:s26], [sflag:$0x1] =	stream.indirect.gather [hbm4b:s1+s23], $0x80, s12, s23, $0xb8;
	[tilespmem:$0x191A0] =	vst v63  }
0x99: {  	_ = 	snop  }
0x9a: {  	[tilespmem:s28], [sflag:$0x2] =	stream.indirect.gather [hbm4b:s5+s23], $0x10, s12, s23, $0xb8;
	[tilespmem:$0x191A0] =	vst v63  }
0x9b: {  	_ = 	snop  }
0x9c: {  	[tilespmem:s29], [sflag:$0x3] =	stream.indirect.gather [hbm4b:s5+s23], $0x10, s23, s23, $0xb8;
	[tilespmem:$0x191A0] =	vst v63  }
0x9d: {  	_ =	swait.ge [sflag:s30], $0x400  }
0x9e: {  	[sflag:s30] =	ssyncset.done $0x0  }
0x9f: {  	[sflag:s30] =	ssyncadd.s32 $0xFFFFFC00  }
0xa0: {  	_ =	swait.ge [sflag:s31], $0x400  }
0xa1: {  	[sflag:s31] =	ssyncset.done $0x0  }
0xa2: {  	[sflag:s31] =	ssyncadd.s32 $0xFFFFFC00  }
0xa3: {  	v33 =	vld.idx.msk [tilespmem:v0+s28+$0x0], $0xffff  }
0xa4: {  	v34 =	vld.idx.msk [tilespmem:v2+s29+$0x0], $0xffff;
	_ =	sdelay $0x4  }
0xa5: {  	v33 =	vadd.f32 v34, v33;
	_ =	sdelay $0x1  }
0xa6: {  	v34 =	vmul.f32 $2.000000030e-01, v33;
	_ =	sdelay $0x1  }
0xa7: {  	v33 =	vmax.f32 v33, v34  }
0xa8: {  	v33 =	vmul.f32 $1.442695020e+00, v33;
	_ =	sdelay $0x1  }
0xa9: {  	(erf) = vpow2.f32 v33;
	_ =	sdelay $0x8  }
0xaa: {  	v33 =	vpop (erf)  }
0xab: {  	[tilespmem:v0+s0+$0x0] =	vst.idx.msk $0xffff, v33  }
0xac: {  	v33 =	vld.idx.msk [tilespmem:v3+s28+$0x0], $0xffff  }
0xad: {  	v49 =	vld.idx.msk [tilespmem:v4+s29+$0x0], $0xffff;
	_ =	sdelay $0x4  }
0xae: {  	v33 =	vadd.f32 v49, v33;
	_ =	sdelay $0x1  }
0xaf: {  	v34 =	vmul.f32 $2.000000030e-01, v33;
	_ =	sdelay $0x1  }
0xb0: {  	v33 =	vmax.f32 v33, v34  }
0xb1: {  	v33 =	vmul.f32 $1.442695020e+00, v33;
	_ =	sdelay $0x1  }
0xb2: {  	(erf) = vpow2.f32 v33;
	_ =	sdelay $0x8  }
0xb3: {  	v33 =	vpop (erf)  }
0xb4: {  	[tilespmem:v3+s0+$0x0] =	vst.idx.msk $0xffff, v33  }
0xb5: {  	v33 =	vld.idx.msk [tilespmem:v5+s28+$0x0], $0xffff  }
0xb6: {  	v50 =	vld.idx.msk [tilespmem:v6+s29+$0x0], $0xffff;
	_ =	sdelay $0x4  }
0xb7: {  	v33 =	vadd.f32 v50, v33;
	_ =	sdelay $0x1  }
0xb8: {  	v34 =	vmul.f32 $2.000000030e-01, v33;
	_ =	sdelay $0x1  }
0xb9: {  	v33 =	vmax.f32 v33, v34  }
0xba: {  	v33 =	vmul.f32 $1.442695020e+00, v33;
	_ =	sdelay $0x1  }
0xbb: {  	(erf) = vpow2.f32 v33;
	_ =	sdelay $0x8  }
0xbc: {  	v33 =	vpop (erf)  }
0xbd: {  	[tilespmem:v5+s0+$0x0] =	vst.idx.msk $0xffff, v33  }
0xbe: {  	v33 =	vld.idx.msk [tilespmem:v7+s28+$0x0], $0xffff  }
0xbf: {  	v51 =	vld.idx.msk [tilespmem:v8+s29+$0x0], $0xffff;
	_ =	sdelay $0x4  }
0xc0: {  	v33 =	vadd.f32 v51, v33;
	_ =	sdelay $0x1  }
0xc1: {  	v34 =	vmul.f32 $2.000000030e-01, v33;
	_ =	sdelay $0x1  }
0xc2: {  	v33 =	vmax.f32 v33, v34  }
0xc3: {  	v33 =	vmul.f32 $1.442695020e+00, v33;
	_ =	sdelay $0x1  }
0xc4: {  	(erf) = vpow2.f32 v33;
	_ =	sdelay $0x8  }
0xc5: {  	v33 =	vpop (erf)  }
0xc6: {  	[tilespmem:v7+s0+$0x0] =	vst.idx.msk $0xffff, v33  }
0xc7: {  	v33 =	vld.idx.msk [tilespmem:v9+s28+$0x0], $0xffff  }
0xc8: {  	v52 =	vld.idx.msk [tilespmem:v10+s29+$0x0], $0xffff;
	_ =	sdelay $0x4  }
0xc9: {  	v33 =	vadd.f32 v52, v33;
	_ =	sdelay $0x1  }
0xca: {  	v34 =	vmul.f32 $2.000000030e-01, v33;
	_ =	sdelay $0x1  }
0xcb: {  	v33 =	vmax.f32 v33, v34  }
0xcc: {  	v33 =	vmul.f32 $1.442695020e+00, v33;
	_ =	sdelay $0x1  }
0xcd: {  	(erf) = vpow2.f32 v33;
	_ =	sdelay $0x8  }
0xce: {  	v33 =	vpop (erf)  }
0xcf: {  	[tilespmem:v9+s0+$0x0] =	vst.idx.msk $0xffff, v33  }
0xd0: {  	v33 =	vld.idx.msk [tilespmem:v11+s28+$0x0], $0xffff  }
0xd1: {  	v53 =	vld.idx.msk [tilespmem:v12+s29+$0x0], $0xffff;
	_ =	sdelay $0x4  }
0xd2: {  	v33 =	vadd.f32 v53, v33;
	_ =	sdelay $0x1  }
0xd3: {  	v34 =	vmul.f32 $2.000000030e-01, v33;
	_ =	sdelay $0x1  }
0xd4: {  	v33 =	vmax.f32 v33, v34  }
0xd5: {  	v33 =	vmul.f32 $1.442695020e+00, v33;
	_ =	sdelay $0x1  }
0xd6: {  	(erf) = vpow2.f32 v33;
	_ =	sdelay $0x8  }
0xd7: {  	v33 =	vpop (erf)  }
0xd8: {  	[tilespmem:v11+s0+$0x0] =	vst.idx.msk $0xffff, v33  }
0xd9: {  	v33 =	vld.idx.msk [tilespmem:v13+s28+$0x0], $0xffff  }
0xda: {  	v54 =	vld.idx.msk [tilespmem:v14+s29+$0x0], $0xffff;
	_ =	sdelay $0x4  }
0xdb: {  	v33 =	vadd.f32 v54, v33;
	_ =	sdelay $0x1  }
0xdc: {  	v34 =	vmul.f32 $2.000000030e-01, v33;
	_ =	sdelay $0x1  }
0xdd: {  	v33 =	vmax.f32 v33, v34  }
0xde: {  	v33 =	vmul.f32 $1.442695020e+00, v33;
	_ =	sdelay $0x1  }
0xdf: {  	(erf) = vpow2.f32 v33;
	_ =	sdelay $0x8  }
0xe0: {  	v33 =	vpop (erf)  }
0xe1: {  	[tilespmem:v13+s0+$0x0] =	vst.idx.msk $0xffff, v33  }
0xe2: {  	v33 =	vld.idx.msk [tilespmem:v15+s28+$0x0], $0xffff  }
0xe3: {  	v55 =	vld.idx.msk [tilespmem:v16+s29+$0x0], $0xffff;
	_ =	sdelay $0x4  }
0xe4: {  	v33 =	vadd.f32 v55, v33;
	_ =	sdelay $0x1  }
0xe5: {  	v34 =	vmul.f32 $2.000000030e-01, v33;
	_ =	sdelay $0x1  }
0xe6: {  	v33 =	vmax.f32 v33, v34  }
0xe7: {  	v33 =	vmul.f32 $1.442695020e+00, v33;
	_ =	sdelay $0x1  }
0xe8: {  	(erf) = vpow2.f32 v33;
	_ =	sdelay $0x8  }
0xe9: {  	v33 =	vpop (erf)  }
0xea: {  	[tilespmem:v15+s0+$0x0] =	vst.idx.msk $0xffff, v33  }
0xeb: {  	v33 =	vld.idx.msk [tilespmem:v17+s28+$0x0], $0xffff  }
0xec: {  	v56 =	vld.idx.msk [tilespmem:v18+s29+$0x0], $0xffff;
	_ =	sdelay $0x4  }
0xed: {  	v33 =	vadd.f32 v56, v33;
	_ =	sdelay $0x1  }
0xee: {  	v34 =	vmul.f32 $2.000000030e-01, v33;
	_ =	sdelay $0x1  }
0xef: {  	v33 =	vmax.f32 v33, v34  }
0xf0: {  	v33 =	vmul.f32 $1.442695020e+00, v33;
	_ =	sdelay $0x1  }
0xf1: {  	(erf) = vpow2.f32 v33;
	_ =	sdelay $0x8  }
0xf2: {  	v33 =	vpop (erf)  }
0xf3: {  	[tilespmem:v17+s0+$0x0] =	vst.idx.msk $0xffff, v33  }
0xf4: {  	v33 =	vld.idx.msk [tilespmem:v19+s28+$0x0], $0xffff  }
0xf5: {  	v57 =	vld.idx.msk [tilespmem:v20+s29+$0x0], $0xffff;
	_ =	sdelay $0x4  }
0xf6: {  	v33 =	vadd.f32 v57, v33;
	_ =	sdelay $0x1  }
0xf7: {  	v34 =	vmul.f32 $2.000000030e-01, v33;
	_ =	sdelay $0x1  }
0xf8: {  	v33 =	vmax.f32 v33, v34  }
0xf9: {  	v33 =	vmul.f32 $1.442695020e+00, v33;
	_ =	sdelay $0x1  }
0xfa: {  	(erf) = vpow2.f32 v33;
	_ =	sdelay $0x8  }
0xfb: {  	v33 =	vpop (erf)  }
0xfc: {  	[tilespmem:v19+s0+$0x0] =	vst.idx.msk $0xffff, v33  }
0xfd: {  	v33 =	vld.idx.msk [tilespmem:v21+s28+$0x0], $0xffff  }
0xfe: {  	v58 =	vld.idx.msk [tilespmem:v22+s29+$0x0], $0xffff;
	_ =	sdelay $0x4  }
0xff: {  	v33 =	vadd.f32 v58, v33;
	_ =	sdelay $0x1  }
0x100: {  	v34 =	vmul.f32 $2.000000030e-01, v33;
	_ =	sdelay $0x1  }
0x101: {  	v33 =	vmax.f32 v33, v34  }
0x102: {  	v33 =	vmul.f32 $1.442695020e+00, v33;
	_ =	sdelay $0x1  }
0x103: {  	(erf) = vpow2.f32 v33;
	_ =	sdelay $0x8  }
0x104: {  	v33 =	vpop (erf)  }
0x105: {  	[tilespmem:v21+s0+$0x0] =	vst.idx.msk $0xffff, v33  }
0x106: {  	v33 =	vld.idx.msk [tilespmem:v23+s28+$0x0], $0xffff  }
0x107: {  	v59 =	vld.idx.msk [tilespmem:v24+s29+$0x0], $0xffff;
	_ =	sdelay $0x4  }
0x108: {  	v33 =	vadd.f32 v59, v33;
	_ =	sdelay $0x1  }
0x109: {  	v34 =	vmul.f32 $2.000000030e-01, v33;
	_ =	sdelay $0x1  }
0x10a: {  	v33 =	vmax.f32 v33, v34  }
0x10b: {  	v33 =	vmul.f32 $1.442695020e+00, v33;
	_ =	sdelay $0x1  }
0x10c: {  	(erf) = vpow2.f32 v33;
	_ =	sdelay $0x8  }
0x10d: {  	v33 =	vpop (erf)  }
0x10e: {  	[tilespmem:v23+s0+$0x0] =	vst.idx.msk $0xffff, v33  }
0x10f: {  	v33 =	vld.idx.msk [tilespmem:v25+s28+$0x0], $0xffff  }
0x110: {  	v60 =	vld.idx.msk [tilespmem:v26+s29+$0x0], $0xffff;
	_ =	sdelay $0x4  }
0x111: {  	v33 =	vadd.f32 v60, v33;
	_ =	sdelay $0x1  }
0x112: {  	v34 =	vmul.f32 $2.000000030e-01, v33;
	_ =	sdelay $0x1  }
0x113: {  	v33 =	vmax.f32 v33, v34  }
0x114: {  	v33 =	vmul.f32 $1.442695020e+00, v33;
	_ =	sdelay $0x1  }
0x115: {  	(erf) = vpow2.f32 v33;
	_ =	sdelay $0x8  }
0x116: {  	v33 =	vpop (erf)  }
0x117: {  	[tilespmem:v25+s0+$0x0] =	vst.idx.msk $0xffff, v33  }
0x118: {  	v33 =	vld.idx.msk [tilespmem:v27+s28+$0x0], $0xffff  }
0x119: {  	v61 =	vld.idx.msk [tilespmem:v28+s29+$0x0], $0xffff;
	_ =	sdelay $0x4  }
0x11a: {  	v33 =	vadd.f32 v61, v33;
	_ =	sdelay $0x1  }
0x11b: {  	v34 =	vmul.f32 $2.000000030e-01, v33;
	_ =	sdelay $0x1  }
0x11c: {  	v33 =	vmax.f32 v33, v34  }
0x11d: {  	v33 =	vmul.f32 $1.442695020e+00, v33;
	_ =	sdelay $0x1  }
0x11e: {  	(erf) = vpow2.f32 v33;
	_ =	sdelay $0x8  }
0x11f: {  	v33 =	vpop (erf)  }
0x120: {  	[tilespmem:v27+s0+$0x0] =	vst.idx.msk $0xffff, v33  }
0x121: {  	v33 =	vld.idx.msk [tilespmem:v29+s28+$0x0], $0xffff  }
0x122: {  	v62 =	vld.idx.msk [tilespmem:v30+s29+$0x0], $0xffff;
	_ =	sdelay $0x4  }
0x123: {  	v33 =	vadd.f32 v62, v33;
	_ =	sdelay $0x1  }
0x124: {  	v34 =	vmul.f32 $2.000000030e-01, v33;
	_ =	sdelay $0x1  }
0x125: {  	v33 =	vmax.f32 v33, v34  }
0x126: {  	v33 =	vmul.f32 $1.442695020e+00, v33;
	_ =	sdelay $0x1  }
0x127: {  	(erf) = vpow2.f32 v33;
	_ =	sdelay $0x8  }
0x128: {  	v33 =	vpop (erf)  }
0x129: {  	[tilespmem:v29+s0+$0x0] =	vst.idx.msk $0xffff, v33  }
0x12a: {  	v33 =	vld.idx.msk [tilespmem:v31+s28+$0x0], $0xffff  }
0x12b: {  	v63 =	vld.idx.msk [tilespmem:v32+s29+$0x0], $0xffff;
	_ =	sdelay $0x4  }
0x12c: {  	v33 =	vadd.f32 v63, v33;
	_ =	sdelay $0x1  }
0x12d: {  	v34 =	vmul.f32 $2.000000030e-01, v33;
	_ =	sdelay $0x1  }
0x12e: {  	v33 =	vmax.f32 v33, v34  }
0x12f: {  	v33 =	vmul.f32 $1.442695020e+00, v33;
	_ =	sdelay $0x1  }
0x130: {  	(erf) = vpow2.f32 v33;
	_ =	sdelay $0x8  }
0x131: {  	v33 =	vpop (erf)  }
0x132: {  	[tilespmem:v31+s0+$0x0] =	vst.idx.msk $0xffff, v33  }
0x133: {  	_ =	swait.ge [sflag:s8], $0x2000  }
0x134: {  	[sflag:s8] =	ssyncset.done $0x0  }
0x135: {  	s14 =	simm.s32 $0xC0;
	[sflag:s8] =	ssyncadd.s32 $0xFFFFE000  }
0x136: {  	s17 =	simm.s32 $0x0;
	v40 =	vld [tilespmem:s14+$0xFFFFFFD0]  }
0x137: {  	v35 =	vld [tilespmem:s17+$0x2080]  }
0x138: {  	v38 =	vld [tilespmem:s14+$0x20]  }
0x139: {  	v41 =	vld [tilespmem:s14+$0xFFFFFFC0]  }
0x13a: {  	v44 =	vld [tilespmem:s14+$0xFFFFFFE0]  }
0x13b: {  	v33 =	vld [tilespmem:s14+$0xFFFFFFF0]  }
0x13c: {  	v34 =	vld [tilespmem:s14+$0x30];
	v42 =	vbroadcast v35, $0x0;
	v39 =	vbroadcast v35, $0x3  }
0x13d: {  	v36 =	vld [tilespmem:s14+$0x0];
	v37 =	vbroadcast v35, $0x1  }
0x13e: {  	v43 =	vmul.f32 v42, v41;
	v41 =	vmul.f32 v38, v39;
	v38 =	vld [tilespmem:s14+$0x10]  }
0x13f: {  	v35 =	vbroadcast v35, $0x2  }
0x140: {  	s16 =	simm.s32 $0xC0;
	s15 =	simm.s32 $0x40;
	v42 =	vmul.f32 v40, v42;
	v40 =	vmul.f32 v44, v37  }
.LBB2_7:
0x141: {  	p2 =	sne.s32 s15, $0xFC0  }
0x142: {  	[tilespmem:s14+$0xFFFFFFC0] =	vst v43;
	v36 =	vmul.f32 v36, v35;
	v34 =	vmul.f32 v34, v39;
	s16 =	sadd.s32 $0x80, s16;
	s17 =	smov.u32 s15;
	s15 =	sadd.s32 $0x40, s15  }
0x143: {  	v37 =	vmul.f32 v33, v37;
	v35 =	vmul.f32 v38, v35;
	[tilespmem:s14+$0x20] =	vst v41  }
0x144: {  	[tilespmem:s14+$0xFFFFFFD0] =	vst v42  }
0x145: {  	[tilespmem:s14+$0xFFFFFFE0] =	vst v40  }
0x146: {  	[tilespmem:s14+$0x30] =	vst v34  }
0x147: {  	v33 =	vld [tilespmem:s16+$0xFFFFFFF0];
	[tilespmem:s14+$0x10] =	vst v35  }
0x148: {  	v40 =	vld [tilespmem:s16+$0xFFFFFFD0];
	[tilespmem:s14+$0xFFFFFFF0] =	vst v37  }
0x149: {  	s17 =	sshra.s32 s17, $0x2;
	v41 =	vld [tilespmem:s16+$0x20];
	[tilespmem:s14+$0x0] =	vst v36;
	s14 =	smov.u32 s16  }
0x14a: {  	v35 =	vld [tilespmem:s17+$0x2080]  }
0x14b: {  	v34 =	vld [tilespmem:s16+$0x30]  }
0x14c: {  	v42 =	vld [tilespmem:s16+$0xFFFFFFC0]  }
0x14d: {  	v44 =	vld [tilespmem:s16+$0xFFFFFFE0]  }
.Ltmp2:
0x14e: {  	v36 =	vld [tilespmem:s16+$0x0];
	(pc) =	sbr.rel @p2 .LBB2_7-.Ltmp2, $4  }
0x14f: {  	v45 =	vbroadcast v35, $0x0;
	v38 =	vld [tilespmem:s16+$0x10];
	v39 =	vbroadcast v35, $0x3  }
0x150: {  	v37 =	vbroadcast v35, $0x1;
	v35 =	vbroadcast v35, $0x2  }
0x151: {  	v43 =	vmul.f32 v45, v42;
	v41 =	vmul.f32 v41, v39  }
0x152: {  	v42 =	vmul.f32 v40, v45;
	v40 =	vmul.f32 v44, v37  }
0x153: {  	[tilespmem:s14+$0xFFFFFFC0] =	vst v43  }
0x154: {  	[tilespmem:s14+$0x20] =	vst v41  }
0x155: {  	v34 =	vmul.f32 v34, v39;
	[tilespmem:s14+$0xFFFFFFD0] =	vst v42  }
0x156: {  	v33 =	vmul.f32 v33, v37;
	[tilespmem:s14+$0xFFFFFFE0] =	vst v40  }
0x157: {  	v63 =	vmul.f32 v36, v35;
	[tilespmem:s14+$0x30] =	vst v34  }
0x158: {  	v38 =	vmul.f32 v38, v35;
	[tilespmem:s14+$0xFFFFFFF0] =	vst v33  }
0x159: {  	[tilespmem:s14+$0x0] =	vst v63  }
0x15a: {  	[tilespmem:s14+$0x10] =	vst v38  }
0x15b: {  	[spmem:s2] =	stream.indirect.scatter.add.f32 [tilespmem:s26], [sflag:$0x4], $0x80, s23, s23, $0xb8;
	[tilespmem:$0x191A0] =	vst v63  }
0x15c: {  	s13 =	sadd.s32 $0x1, s13;
	_ =	swait.ge [sflag:s21], $0x2000  }
0x15d: {  	p2 =	sne.s32 s13, $0x9D;
	[sflag:s21] =	ssyncset.done $0x0  }
.Ltmp3:
0x15e: {  	[sflag:s21] =	ssyncadd.s32 $0xFFFFE000;
	(pc) =	sbr.rel @p2 .LBB2_6-.Ltmp3, $4  }
0x15f: {  	[spmem:s3] =	stream.indirect.scatter.add.f32 [tilespmem:s0], [sflag:$0x4], $0x10, s23, s23, $0xb8;
	[tilespmem:$0x191A0] =	vst v63  }
0x160: {  	_ =	swait.ge [sflag:s21], $0x400  }
0x161: {  	[sflag:s21] =	ssyncset.done $0x0  }
0x162: {  	[sflag:s21] =	ssyncadd.s32 $0xFFFFFC00  }
0x163: {  	s12 =	stileid.u32  }
0x164: {  	[bflag:$0x0] =	sbarrier.arrive $0xFFFF;
	s12 =	sshll.u32 s12, $0x6  }
0x165: {  	s13 =	rddreg [dreg:$0x5];
	s12 =	sor.u32 $0x1C04, s12  }
0x166: {  	[hbm:s13], [sflag:s12] =	dma.local [spmem:s24], $0x2700  }
0x167: {  	_ =	swait.ge [sflag:s21], $0x2700  }
0x168: {  	[sflag:s21] =	ssyncset.done $0x0  }
0x169: {  	s16 =	rddreg [dreg:$0x6];
	[sflag:s21] =	ssyncadd.s32 $0xFFFFD900  }
0x16a: {  	[hbm:s16], [sflag:s12] =	dma.local [spmem:s25], $0x4E0  }
0x16b: {  	_ =	swait.ge [sflag:s21], $0x4E0  }
0x16c: {  	[sflag:s21] =	ssyncset.done $0x0  }
0x16d: {  	s13 =	sshrl.u32 @!p0 s2, $0x3;
	s14 =	rddreg [dreg:$0x7];
	[sflag:s21] =	ssyncadd.s32 $0xFFFFFB20  }
0x16e: {  	[hbm:s14], [sflag:s12] =	dma.local @!p0 [spmem:s13], $0x100  }
0x16f: {  	s13 =	simm.s32 @!p0 $0x4  }
0x170: {  	_ =	swait.ge @!p0 [sflag:s13], $0x100  }
0x171: {  	[sflag:s13] =	ssyncset.done @!p0 $0x0  }
0x172: {  	s14 =	sshrl.u32 @!p0 s3, $0x3;
	s15 =	rddreg [dreg:$0x8];
	[sflag:s13] =	ssyncadd.s32 @!p0 $0xFFFFFF00  }
0x173: {  	[hbm:s15], [sflag:s12] =	dma.local @!p0 [spmem:s14], $0x20  }
0x174: {  	_ =	swait.ge @!p0 [sflag:s13], $0x20  }
0x175: {  	s4 =	sadd.s32 $0x1, s4;
	s17 =	rddreg [dreg:$0x9]  }
0x176: {  	p2 =	sne.s32 s4, s17  }
.Ltmp4:
0x177: {  	_ = 	snop;
	(pc) =	sbr.rel @p2 .LBB2_1-.Ltmp4, $3  }
0x178: {  	_ =	sdelay $0x1  }
0x179: {  	[sflag:s13] =	ssyncset.done @!p0 $0x0  }
0x17a: {  	[sflag:s13] =	ssyncadd.s32 @!p0 $0xFFFFFFE0  }
0x17b: {  	_ =	sfence.sel $0x180000  }
0x17c: {  	[bflag:$0x0] =	sbarrier.arrive $0xFFFF  }
0x17d: {  	_ =	strace $0x90000047  }
0x17e: {  	[bflag:$0x2] =	sbarrier.arrive $0xFFFF  }
0x17f: {  	s0 =	rddreg [dreg:$0x4]  }
0x180: {  	s0 =	sadd.s32 @!p0 $0x100000, s0  }
0x181: {  	[sflag:s0] =	ssyncadd.tile.s32 @!p0 $0x1;
	_ =	shalt  }
.Lfunc_end2:
_tile_overlayer_lowered:
.L_overlay_start_2:
0x182: {  	(tag) =	ssettag $0x2  }
0x183: {  	s0 =	rddreg [dreg:$0x0];
	s2 =	stileid.u32  }
0x184: {  	s1 =	rddreg [dreg:$0x1];
	p0 =	sne.s32 s2, $0x0  }
0x185: {  	s3 =	rddreg [dreg:$0x2];
	[bflag:$0x3] =	sbarrier.arrive $0xFFFF;
	s2 =	simm.s32 @!p0 $0x1C04  }
0x186: {  	[timem:s3], [sflag:s2] =	dma.local @!p0 [hbm:s0], s1  }
0x187: {  	s0 =	simm.s32 @!p0 $0x4  }
0x188: {  	_ =	swait.ge @!p0 [sflag:s0], s1  }
0x189: {  	s1 =	ssub.s32 @!p0 $0x0, s1;
	[sflag:s0] =	ssyncset.done @!p0 $0x0  }
0x18a: {  	[sflag:s0] =	ssyncadd.s32 @!p0 s1  }
0x18b: {  	[bflag:$0x3] =	sbarrier.arrive $0xFFFF  }
0x18c: {  	_ =	shalt  }

</sc_bundles>
